<compile_context>
chip_gen: v7x
topology: tpu7x:2x2x1
jax: 0.10.2.dev20260603
libtpu: 0.0.44.dev20260713+nightly
codegen_flags: <defaults>
</compile_context>

<pallas_src>
import functools

import jax
import jax.numpy as jnp
from jax import lax
from jax.experimental import pallas as pl
from jax.experimental.pallas import tpu as pltpu
from jax.experimental.pallas import tpu_sc as plsc

N = 100000
D = 128
G = 512
TC_OUT = 24

NC = 2
NS = 16
NW = NC * NS

B = 400
CHUNKS = ((0, 96), (96, 104), (200, 96), (296, 104))
NB = N // B
ROWS_PER_TILE = G // NS

HB = 4000
NHB = N // HB
HI = 32
LO = 16


def _sc_body(nodes_hbm, gi_hbm, sums_hbm,
             rows_v0, rows_v1,
             idxa_v0, idxb_v0, idxc_v0, idxd_v0,
             idxa_v1, idxb_v1, idxc_v1, idxd_v1, zrow_v,
             acc_sh, lsem0, lsem1, ssem0, ssem1):
  cid = lax.axis_index("c")
  sid = lax.axis_index("s")
  wid = cid * NS + sid

  zvec = jnp.zeros((16,), jnp.float32)

  def fill_zrow(i, _):
    for j in range(D // 16):
      zrow_v[i, pl.ds(j * 16, 16)] = zvec
    return 0
  lax.fori_loop(0, ROWS_PER_TILE, fill_zrow, 0)

  pltpu.sync_copy(zrow_v, acc_sh.at[pl.ds(sid * ROWS_PER_TILE, ROWS_PER_TILE)])
  plsc.subcore_barrier()

  nbase = NB // NW
  nrem = NB - nbase * NW
  start = nbase * wid + jnp.minimum(wid, nrem)
  nb = nbase + jnp.where(wid < nrem, 1, 0)

  slots = ((rows_v0, (idxa_v0, idxb_v0, idxc_v0, idxd_v0), lsem0, ssem0),
           (rows_v1, (idxa_v1, idxb_v1, idxc_v1, idxd_v1), lsem1, ssem1))

  def issue_load(k, slot):
    rows_v, idxs, lsem, _ = slot
    bt = start + k
    for (off, ln), iv in zip(CHUNKS, idxs):
      pltpu.async_copy(gi_hbm.at[pl.ds(bt * B + off, ln)], iv, lsem)
    pltpu.async_copy(nodes_hbm.at[pl.ds(bt * B, B)], rows_v, lsem)

  def half(k, slot):
    rows_v, idxs, lsem, ssem = slot
    for (off, ln), iv in zip(CHUNKS, idxs):
      pltpu.make_async_copy(gi_hbm.at[pl.ds(0, ln)], iv, lsem).wait()
    pltpu.make_async_copy(nodes_hbm.at[pl.ds(0, B)], rows_v, lsem).wait()
    descs = []
    for (off, ln), iv in zip(CHUNKS, idxs):
      descs.append(pltpu.async_copy(rows_v.at[pl.ds(off, ln)],
                                    acc_sh.at[iv], ssem, add=True))
    for d_ in descs:
      d_.wait()

    @pl.when(k + 2 < nb)
    def _():
      issue_load(k + 2, slot)

  issue_load(0, slots[0])
  issue_load(1, slots[1])

  def pair_body(k2, _):
    k = 2 * k2

    @pl.when(k < nb)
    def _():
      half(k, slots[0])

    @pl.when(k + 1 < nb)
    def _():
      half(k + 1, slots[1])
    return 0

  lax.fori_loop(0, (nb + 1) // 2, pair_body, 0)
  plsc.subcore_barrier()

  out_base = cid * G + sid * ROWS_PER_TILE
  pltpu.sync_copy(acc_sh.at[pl.ds(sid * ROWS_PER_TILE, ROWS_PER_TILE)],
                  sums_hbm.at[pl.ds(out_base, ROWS_PER_TILE)])


@jax.jit
def _segment_accumulate(nodes, gi_r):
  mesh = plsc.VectorSubcoreMesh(core_axis_name="c", subcore_axis_name="s",
                                num_cores=NC, num_subcores=NS)
  return pl.kernel(
      _sc_body,
      out_type=jax.ShapeDtypeStruct((NC * G, D), jnp.float32),
      mesh=mesh,
      scratch_types=[
          pltpu.VMEM((B, D), jnp.float32),
          pltpu.VMEM((B, D), jnp.float32),
          pltpu.VMEM((96,), jnp.int32),
          pltpu.VMEM((104,), jnp.int32),
          pltpu.VMEM((96,), jnp.int32),
          pltpu.VMEM((104,), jnp.int32),
          pltpu.VMEM((96,), jnp.int32),
          pltpu.VMEM((104,), jnp.int32),
          pltpu.VMEM((96,), jnp.int32),
          pltpu.VMEM((104,), jnp.int32),
          pltpu.VMEM((ROWS_PER_TILE, D), jnp.float32),
          pltpu.VMEM_SHARED((G, D), jnp.float32),
          pltpu.SemaphoreType.DMA,
          pltpu.SemaphoreType.DMA,
          pltpu.SemaphoreType.DMA,
          pltpu.SemaphoreType.DMA,
      ],
  )(nodes, gi_r)


def _hist_body(gi_ref, cnt_ref):
  i = pl.program_id(0)
  g = gi_ref[0, 0, :]
  hi = jnp.right_shift(g, 4)[None, :]
  lo = jnp.bitwise_and(g, 15)[None, :]
  eqh = (hi == lax.broadcasted_iota(jnp.int32, (HI, HB), 0)
         ).astype(jnp.bfloat16)
  eql = (lo == lax.broadcasted_iota(jnp.int32, (LO, HB), 0)
         ).astype(jnp.bfloat16)
  bc = lax.dot_general(eqh, eql, (((1,), (1,)), ((), ())),
                       preferred_element_type=jnp.float32)

  @pl.when(i == 0)
  def _():
    cnt_ref[...] = bc

  @pl.when(i > 0)
  def _():
    cnt_ref[...] = cnt_ref[...] + bc


@jax.jit
def _hist(gi4):
  return pl.pallas_call(
      _hist_body,
      grid=(NHB,),
      in_specs=[pl.BlockSpec((1, 1, HB), lambda i: (i, 0, 0))],
      out_specs=pl.BlockSpec((HI, LO), lambda i: (0, 0)),
      out_shape=jax.ShapeDtypeStruct((HI, LO), jnp.float32),
  )(gi4)


def _head_body(sums_ref, cnt_ref, w_ref, b_ref, out_ref):
  s = sums_ref[0:G, :] + sums_ref[G:2 * G, :]
  pooled = s / jnp.maximum(cnt_ref[...], 1.0)
  out_ref[...] = (
      jnp.dot(pooled, w_ref[...], preferred_element_type=jnp.float32)
      + b_ref[...])


@jax.jit
def _head(sums, cnts, W, b):
  return pl.pallas_call(
      _head_body,
      out_shape=jax.ShapeDtypeStruct((G, TC_OUT), jnp.float32),
  )(sums, cnts, W, b.reshape(1, TC_OUT))


def kernel(node_representation, graph_index, W, b):
  gi = graph_index.astype(jnp.int32)
  gi4 = gi.reshape(NHB, 1, HB)
  sums = _segment_accumulate(node_representation, gi)
  cnts = _hist(gi4).reshape(G, 1)
  out = _head(sums, cnts, W, b)
  return out.reshape(-1, TC_OUT // 2, 2)

# --- scband reference (transcript-rebuilt; emitter-appended) ---
"""Pipeline reference for scband-gnnhead-1468878815470 (READ-ONLY COPY).

The authoritative reference and input builder live on the scoring server;
editing this copy changes nothing except your own understanding.
"""

import jax, jax.numpy as jnp
import numpy as np

N = 100000
D = 128
G = 512
T = 12
C = 2


def setup_inputs(seed: int = 0) -> dict:
    key = jax.random.key(seed)
    k1, k2, k3, k4 = jax.random.split(key, 4)
    node_representation = jax.random.normal(k1, (N, D), dtype=jnp.float32)
    graph_index = jnp.sort(jax.random.randint(k2, (N,), 0, G))
    W = jax.random.normal(k3, (D, T * C), dtype=jnp.float32) * 0.05
    b = jax.random.normal(k4, (T * C,), dtype=jnp.float32) * 0.01
    return {
        "node_representation": node_representation,
        "graph_index": graph_index,
        "W": W,
        "b": b,
    }


def reference(node_representation, graph_index, W, b):
    # pool: global mean pool over graph_index segments (scatter-add + count divide)
    sums = jax.ops.segment_sum(node_representation, graph_index, num_segments=G)
    ones = jnp.ones((node_representation.shape[0],), dtype=node_representation.dtype)
    counts = jax.ops.segment_sum(ones, graph_index, num_segments=G)
    pooled = sums / jnp.maximum(counts, 1.0)[:, None]
    # head: linear projection
    out = pooled @ W + b
    # task == 'classification': reshape to (-1, num_tasks, num_classes)
    out = jnp.reshape(out, (-1, T, C))
    return out

if __name__ == "__main__":
    import jax
    _d = setup_inputs()
    print(jax.jit(kernel)(*tuple(_d.values())))

</pallas_src>

<mosaic_0001>
#map = affine_map<(d0, d1) -> (0, 0)>
#map1 = affine_map<(d0, d1) -> (0)>
module attributes {stable_mosaic.version = 14 : i64} {
  func.func @_sc_body(%arg0: i32, %arg1: i32, %arg2: memref<100000x128xf32, #tpu.memory_space<hbm>>, %arg3: memref<100000xi32, #tpu.memory_space<hbm>>, %arg4: memref<1024x128xf32, #tpu.memory_space<hbm>>, %arg5: memref<400x128xf32, #tpu.memory_space<vmem>>, %arg6: memref<400x128xf32, #tpu.memory_space<vmem>>, %arg7: memref<96xi32, #tpu.memory_space<vmem>>, %arg8: memref<104xi32, #tpu.memory_space<vmem>>, %arg9: memref<96xi32, #tpu.memory_space<vmem>>, %arg10: memref<104xi32, #tpu.memory_space<vmem>>, %arg11: memref<96xi32, #tpu.memory_space<vmem>>, %arg12: memref<104xi32, #tpu.memory_space<vmem>>, %arg13: memref<96xi32, #tpu.memory_space<vmem>>, %arg14: memref<104xi32, #tpu.memory_space<vmem>>, %arg15: memref<32x128xf32, #tpu.memory_space<vmem>>, %arg16: memref<512x128xf32, #tpu.memory_space<vmem_shared>>, %arg17: memref<!tpu.dma_semaphore, #tpu.memory_space<semaphore_mem>>, %arg18: memref<!tpu.dma_semaphore, #tpu.memory_space<semaphore_mem>>, %arg19: memref<!tpu.dma_semaphore, #tpu.memory_space<semaphore_mem>>, %arg20: memref<!tpu.dma_semaphore, #tpu.memory_space<semaphore_mem>>) attributes {dimension_semantics = [#tpu.dimension_semantics<core_parallel>, #tpu.dimension_semantics<subcore_parallel>], iteration_bounds = array<i64: 2, 16>, scalar_prefetch = 0 : i64, scratch_operands = 16 : i64, tpu.core_type = #tpu.core_type<sc_vector_subcore>, window_params = [{transform_indices = #map}, {transform_indices = #map1}, {transform_indices = #map}]} {
    %mul3A = arith.constant 16 : i32
    %mul3A_0 = arith.muli %arg0, %mul3A : i32
    %add3A = arith.addi %mul3A_0, %arg1 : i32
    %broadcast_in_dim3A = arith.constant 0.000000e+00 : f32
    %broadcast_in_dim3A_1 = vector.broadcast %broadcast_in_dim3A : f32 to vector<16xf32>
    %scan3A = arith.constant 0 : i32
    %scan3A_2 = arith.constant 0 : i32
    %scan3A_3 = arith.constant 32 : i32
    %scan3A_4 = arith.addi %scan3A_2, %scan3A_3 : i32
    %scan3A_5 = arith.constant 1 : i32
    %scan3A_6 = scf.for %scan3A_120 = %scan3A_2 to %scan3A_4 step %scan3A_5 iter_args(%scan3A_121 = %scan3A) -> (i32)  : i32 {
      %swap3A = arith.index_cast %scan3A_120 : i32 to index
      %swap3A_122 = arith.constant 0 : index
      %swap3A_123 = tpu.vector_load %arg15[%swap3A, %swap3A_122] {strides = array<i32>} : memref<32x128xf32, #tpu.memory_space<vmem>>, vector<1x16xf32>,
      %swap3A_124 = vector.shape_cast %swap3A_123 : vector<1x16xf32> to vector<16xf32>
      %swap3A_125 = vector.shape_cast %broadcast_in_dim3A_1 : vector<16xf32> to vector<1x16xf32>
      tpu.vector_store %arg15[%swap3A, %swap3A_122], %swap3A_125 {strides = array<i32>} : memref<32x128xf32, #tpu.memory_space<vmem>>, vector<1x16xf32>,
      %swap3A_126 = arith.index_cast %scan3A_120 : i32 to index
      %swap3A_127 = arith.constant 16 : index
      %swap3A_128 = tpu.vector_load %arg15[%swap3A_126, %swap3A_127] {strides = array<i32>} : memref<32x128xf32, #tpu.memory_space<vmem>>, vector<1x16xf32>,
      %swap3A_129 = vector.shape_cast %swap3A_128 : vector<1x16xf32> to vector<16xf32>
      %swap3A_130 = vector.shape_cast %broadcast_in_dim3A_1 : vector<16xf32> to vector<1x16xf32>
      tpu.vector_store %arg15[%swap3A_126, %swap3A_127], %swap3A_130 {strides = array<i32>} : memref<32x128xf32, #tpu.memory_space<vmem>>, vector<1x16xf32>,
      %swap3A_131 = arith.index_cast %scan3A_120 : i32 to index
      %swap3A_132 = arith.constant 32 : index
      %swap3A_133 = tpu.vector_load %arg15[%swap3A_131, %swap3A_132] {strides = array<i32>} : memref<32x128xf32, #tpu.memory_space<vmem>>, vector<1x16xf32>,
      %swap3A_134 = vector.shape_cast %swap3A_133 : vector<1x16xf32> to vector<16xf32>
      %swap3A_135 = vector.shape_cast %broadcast_in_dim3A_1 : vector<16xf32> to vector<1x16xf32>
      tpu.vector_store %arg15[%swap3A_131, %swap3A_132], %swap3A_135 {strides = array<i32>} : memref<32x128xf32, #tpu.memory_space<vmem>>, vector<1x16xf32>,
      %swap3A_136 = arith.index_cast %scan3A_120 : i32 to index
      %swap3A_137 = arith.constant 48 : index
      %swap3A_138 = tpu.vector_load %arg15[%swap3A_136, %swap3A_137] {strides = array<i32>} : memref<32x128xf32, #tpu.memory_space<vmem>>, vector<1x16xf32>,
      %swap3A_139 = vector.shape_cast %swap3A_138 : vector<1x16xf32> to vector<16xf32>
      %swap3A_140 = vector.shape_cast %broadcast_in_dim3A_1 : vector<16xf32> to vector<1x16xf32>
      tpu.vector_store %arg15[%swap3A_136, %swap3A_137], %swap3A_140 {strides = array<i32>} : memref<32x128xf32, #tpu.memory_space<vmem>>, vector<1x16xf32>,
      %swap3A_141 = arith.index_cast %scan3A_120 : i32 to index
      %swap3A_142 = arith.constant 64 : index
      %swap3A_143 = tpu.vector_load %arg15[%swap3A_141, %swap3A_142] {strides = array<i32>} : memref<32x128xf32, #tpu.memory_space<vmem>>, vector<1x16xf32>,
      %swap3A_144 = vector.shape_cast %swap3A_143 : vector<1x16xf32> to vector<16xf32>
      %swap3A_145 = vector.shape_cast %broadcast_in_dim3A_1 : vector<16xf32> to vector<1x16xf32>
      tpu.vector_store %arg15[%swap3A_141, %swap3A_142], %swap3A_145 {strides = array<i32>} : memref<32x128xf32, #tpu.memory_space<vmem>>, vector<1x16xf32>,
      %swap3A_146 = arith.index_cast %scan3A_120 : i32 to index
      %swap3A_147 = arith.constant 80 : index
      %swap3A_148 = tpu.vector_load %arg15[%swap3A_146, %swap3A_147] {strides = array<i32>} : memref<32x128xf32, #tpu.memory_space<vmem>>, vector<1x16xf32>,
      %swap3A_149 = vector.shape_cast %swap3A_148 : vector<1x16xf32> to vector<16xf32>
      %swap3A_150 = vector.shape_cast %broadcast_in_dim3A_1 : vector<16xf32> to vector<1x16xf32>
      tpu.vector_store %arg15[%swap3A_146, %swap3A_147], %swap3A_150 {strides = array<i32>} : memref<32x128xf32, #tpu.memory_space<vmem>>, vector<1x16xf32>,
      %swap3A_151 = arith.index_cast %scan3A_120 : i32 to index
      %swap3A_152 = arith.constant 96 : index
      %swap3A_153 = tpu.vector_load %arg15[%swap3A_151, %swap3A_152] {strides = array<i32>} : memref<32x128xf32, #tpu.memory_space<vmem>>, vector<1x16xf32>,
      %swap3A_154 = vector.shape_cast %swap3A_153 : vector<1x16xf32> to vector<16xf32>
      %swap3A_155 = vector.shape_cast %broadcast_in_dim3A_1 : vector<16xf32> to vector<1x16xf32>
      tpu.vector_store %arg15[%swap3A_151, %swap3A_152], %swap3A_155 {strides = array<i32>} : memref<32x128xf32, #tpu.memory_space<vmem>>, vector<1x16xf32>,
      %swap3A_156 = arith.index_cast %scan3A_120 : i32 to index
      %swap3A_157 = arith.constant 112 : index
      %swap3A_158 = tpu.vector_load %arg15[%swap3A_156, %swap3A_157] {strides = array<i32>} : memref<32x128xf32, #tpu.memory_space<vmem>>, vector<1x16xf32>,
      %swap3A_159 = vector.shape_cast %swap3A_158 : vector<1x16xf32> to vector<16xf32>
      %swap3A_160 = vector.shape_cast %broadcast_in_dim3A_1 : vector<16xf32> to vector<1x16xf32>
      tpu.vector_store %arg15[%swap3A_156, %swap3A_157], %swap3A_160 {strides = array<i32>} : memref<32x128xf32, #tpu.memory_space<vmem>>, vector<1x16xf32>,
      %scan3A_161 = arith.constant 0 : i32
      scf.yield %scan3A_161 : i32
    }
    %scan3A_7 = arith.constant 32 : i32
    %mul3A_8 = arith.constant 32 : i32
    %mul3A_9 = arith.muli %arg1, %mul3A_8 : i32
    "tpu.region"() ({
      %run_scoped3A = tpu.sem_alloc : memref<!tpu.dma_semaphore, #tpu.memory_space<semaphore_mem>>
      %dma_start3A_120 = arith.constant 0 : i32
      %dma_start3A_121 = tpu.memref_slice %arg16[%mul3A_9, %dma_start3A_120] : memref<512x128xf32, #tpu.memory_space<vmem_shared>> -> memref<32x128xf32, #tpu.memory_space<vmem_shared>>
      %dma_start3A_122 = arith.constant 0 : i32
      %dma_start3A_123 = tpu.memref_slice %arg16[%mul3A_9, %dma_start3A_122] : memref<512x128xf32, #tpu.memory_space<vmem_shared>> -> memref<32x128xf32, #tpu.memory_space<vmem_shared>>
      tpu.enqueue_dma source(%arg15 : memref<32x128xf32, #tpu.memory_space<vmem>>) target(%dma_start3A_123 : memref<32x128xf32, #tpu.memory_space<vmem_shared>>) target_semaphore(%run_scoped3A : memref<!tpu.dma_semaphore, #tpu.memory_space<semaphore_mem>>)
      %dma_wait3A = arith.constant 0 : i32
      %dma_wait3A_124 = tpu.memref_slice %arg16[%mul3A_9, %dma_wait3A] : memref<512x128xf32, #tpu.memory_space<vmem_shared>> -> memref<32x128xf32, #tpu.memory_space<vmem_shared>>
      %dma_wait3A_125 = arith.constant 0 : i32
      %dma_wait3A_126 = tpu.memref_slice %arg16[%mul3A_9, %dma_wait3A_125] : memref<512x128xf32, #tpu.memory_space<vmem_shared>> -> memref<32x128xf32, #tpu.memory_space<vmem_shared>>
      tpu.wait_dma2 semaphore(%run_scoped3A : memref<!tpu.dma_semaphore, #tpu.memory_space<semaphore_mem>>) src(%arg15 : memref<32x128xf32, #tpu.memory_space<vmem>>) dst(%dma_wait3A_126 : memref<32x128xf32, #tpu.memory_space<vmem_shared>>)
      tpu.yield
    }) : () -> ()
    %barrier3A = arith.constant 0 : index
    tpu.barrier barrier_id(%barrier3A)
    %mul3A_10 = arith.constant 7 : i32
    %mul3A_11 = arith.muli %mul3A_10, %add3A : i32
    %min3A = arith.constant 26 : i32
    %min3A_12 = arith.minsi %add3A, %min3A : i32
    %add3A_13 = arith.addi %mul3A_11, %min3A_12 : i32
    %lt3A = arith.constant 26 : i32
    %lt3A_14 = arith.cmpi slt, %add3A, %lt3A : i32
    %jit3A = arith.constant 1 : i32
    %jit3A_15 = arith.constant 0 : i32
    %select_n3A = arith.select %lt3A_14, %jit3A, %jit3A_15 : i32
    %add3A_16 = arith.constant 7 : i32
    %add3A_17 = arith.addi %add3A_16, %select_n3A : i32
    %add3A_18 = arith.constant 0 : i32
    %add3A_19 = arith.addi %add3A_13, %add3A_18 : i32
    %mul3A_20 = arith.constant 400 : i32
    %mul3A_21 = arith.muli %add3A_19, %mul3A_20 : i32
    %add3A_22 = arith.constant 0 : i32
    %add3A_23 = arith.addi %mul3A_21, %add3A_22 : i32
    %dma_start3A = tpu.memref_slice %arg3[%add3A_23] : memref<100000xi32, #tpu.memory_space<hbm>> -> memref<96xi32, #tpu.memory_space<hbm>>
    %dma_start3A_24 = tpu.memref_slice %arg3[%add3A_23] : memref<100000xi32, #tpu.memory_space<hbm>> -> memref<96xi32, #tpu.memory_space<hbm>>
    tpu.enqueue_dma source(%dma_start3A_24 : memref<96xi32, #tpu.memory_space<hbm>>) target(%arg7 : memref<96xi32, #tpu.memory_space<vmem>>) target_semaphore(%arg17 : memref<!tpu.dma_semaphore, #tpu.memory_space<semaphore_mem>>)
    %mul3A_25 = arith.constant 400 : i32
    %mul3A_26 = arith.muli %add3A_19, %mul3A_25 : i32
    %add3A_27 = arith.constant 96 : i32
    %add3A_28 = arith.addi %mul3A_26, %add3A_27 : i32
    %dma_start3A_29 = tpu.memref_slice %arg3[%add3A_28] : memref<100000xi32, #tpu.memory_space<hbm>> -> memref<104xi32, #tpu.memory_space<hbm>>
    %dma_start3A_30 = tpu.memref_slice %arg3[%add3A_28] : memref<100000xi32, #tpu.memory_space<hbm>> -> memref<104xi32, #tpu.memory_space<hbm>>
    tpu.enqueue_dma source(%dma_start3A_30 : memref<104xi32, #tpu.memory_space<hbm>>) target(%arg8 : memref<104xi32, #tpu.memory_space<vmem>>) target_semaphore(%arg17 : memref<!tpu.dma_semaphore, #tpu.memory_space<semaphore_mem>>)
    %mul3A_31 = arith.constant 400 : i32
    %mul3A_32 = arith.muli %add3A_19, %mul3A_31 : i32
    %add3A_33 = arith.constant 200 : i32
    %add3A_34 = arith.addi %mul3A_32, %add3A_33 : i32
    %dma_start3A_35 = tpu.memref_slice %arg3[%add3A_34] : memref<100000xi32, #tpu.memory_space<hbm>> -> memref<96xi32, #tpu.memory_space<hbm>>
    %dma_start3A_36 = tpu.memref_slice %arg3[%add3A_34] : memref<100000xi32, #tpu.memory_space<hbm>> -> memref<96xi32, #tpu.memory_space<hbm>>
    tpu.enqueue_dma source(%dma_start3A_36 : memref<96xi32, #tpu.memory_space<hbm>>) target(%arg9 : memref<96xi32, #tpu.memory_space<vmem>>) target_semaphore(%arg17 : memref<!tpu.dma_semaphore, #tpu.memory_space<semaphore_mem>>)
    %mul3A_37 = arith.constant 400 : i32
    %mul3A_38 = arith.muli %add3A_19, %mul3A_37 : i32
    %add3A_39 = arith.constant 296 : i32
    %add3A_40 = arith.addi %mul3A_38, %add3A_39 : i32
    %dma_start3A_41 = tpu.memref_slice %arg3[%add3A_40] : memref<100000xi32, #tpu.memory_space<hbm>> -> memref<104xi32, #tpu.memory_space<hbm>>
    %dma_start3A_42 = tpu.memref_slice %arg3[%add3A_40] : memref<100000xi32, #tpu.memory_space<hbm>> -> memref<104xi32, #tpu.memory_space<hbm>>
    tpu.enqueue_dma source(%dma_start3A_42 : memref<104xi32, #tpu.memory_space<hbm>>) target(%arg10 : memref<104xi32, #tpu.memory_space<vmem>>) target_semaphore(%arg17 : memref<!tpu.dma_semaphore, #tpu.memory_space<semaphore_mem>>)
    %mul3A_43 = arith.constant 400 : i32
    %mul3A_44 = arith.muli %add3A_19, %mul3A_43 : i32
    %dma_start3A_45 = arith.constant 0 : i32
    %dma_start3A_46 = tpu.memref_slice %arg2[%mul3A_44, %dma_start3A_45] : memref<100000x128xf32, #tpu.memory_space<hbm>> -> memref<400x128xf32, #tpu.memory_space<hbm>>
    %dma_start3A_47 = arith.constant 0 : i32
    %dma_start3A_48 = tpu.memref_slice %arg2[%mul3A_44, %dma_start3A_47] : memref<100000x128xf32, #tpu.memory_space<hbm>> -> memref<400x128xf32, #tpu.memory_space<hbm>>
    tpu.enqueue_dma source(%dma_start3A_48 : memref<400x128xf32, #tpu.memory_space<hbm>>) target(%arg5 : memref<400x128xf32, #tpu.memory_space<vmem>>) target_semaphore(%arg17 : memref<!tpu.dma_semaphore, #tpu.memory_space<semaphore_mem>>)
    %add3A_49 = arith.constant 1 : i32
    %add3A_50 = arith.addi %add3A_13, %add3A_49 : i32
    %mul3A_51 = arith.constant 400 : i32
    %mul3A_52 = arith.muli %add3A_50, %mul3A_51 : i32
    %add3A_53 = arith.constant 0 : i32
    %add3A_54 = arith.addi %mul3A_52, %add3A_53 : i32
    %dma_start3A_55 = tpu.memref_slice %arg3[%add3A_54] : memref<100000xi32, #tpu.memory_space<hbm>> -> memref<96xi32, #tpu.memory_space<hbm>>
    %dma_start3A_56 = tpu.memref_slice %arg3[%add3A_54] : memref<100000xi32, #tpu.memory_space<hbm>> -> memref<96xi32, #tpu.memory_space<hbm>>
    tpu.enqueue_dma source(%dma_start3A_56 : memref<96xi32, #tpu.memory_space<hbm>>) target(%arg11 : memref<96xi32, #tpu.memory_space<vmem>>) target_semaphore(%arg18 : memref<!tpu.dma_semaphore, #tpu.memory_space<semaphore_mem>>)
    %mul3A_57 = arith.constant 400 : i32
    %mul3A_58 = arith.muli %add3A_50, %mul3A_57 : i32
    %add3A_59 = arith.constant 96 : i32
    %add3A_60 = arith.addi %mul3A_58, %add3A_59 : i32
    %dma_start3A_61 = tpu.memref_slice %arg3[%add3A_60] : memref<100000xi32, #tpu.memory_space<hbm>> -> memref<104xi32, #tpu.memory_space<hbm>>
    %dma_start3A_62 = tpu.memref_slice %arg3[%add3A_60] : memref<100000xi32, #tpu.memory_space<hbm>> -> memref<104xi32, #tpu.memory_space<hbm>>
    tpu.enqueue_dma source(%dma_start3A_62 : memref<104xi32, #tpu.memory_space<hbm>>) target(%arg12 : memref<104xi32, #tpu.memory_space<vmem>>) target_semaphore(%arg18 : memref<!tpu.dma_semaphore, #tpu.memory_space<semaphore_mem>>)
    %mul3A_63 = arith.constant 400 : i32
    %mul3A_64 = arith.muli %add3A_50, %mul3A_63 : i32
    %add3A_65 = arith.constant 200 : i32
    %add3A_66 = arith.addi %mul3A_64, %add3A_65 : i32
    %dma_start3A_67 = tpu.memref_slice %arg3[%add3A_66] : memref<100000xi32, #tpu.memory_space<hbm>> -> memref<96xi32, #tpu.memory_space<hbm>>
    %dma_start3A_68 = tpu.memref_slice %arg3[%add3A_66] : memref<100000xi32, #tpu.memory_space<hbm>> -> memref<96xi32, #tpu.memory_space<hbm>>
    tpu.enqueue_dma source(%dma_start3A_68 : memref<96xi32, #tpu.memory_space<hbm>>) target(%arg13 : memref<96xi32, #tpu.memory_space<vmem>>) target_semaphore(%arg18 : memref<!tpu.dma_semaphore, #tpu.memory_space<semaphore_mem>>)
    %mul3A_69 = arith.constant 400 : i32
    %mul3A_70 = arith.muli %add3A_50, %mul3A_69 : i32
    %add3A_71 = arith.constant 296 : i32
    %add3A_72 = arith.addi %mul3A_70, %add3A_71 : i32
    %dma_start3A_73 = tpu.memref_slice %arg3[%add3A_72] : memref<100000xi32, #tpu.memory_space<hbm>> -> memref<104xi32, #tpu.memory_space<hbm>>
    %dma_start3A_74 = tpu.memref_slice %arg3[%add3A_72] : memref<100000xi32, #tpu.memory_space<hbm>> -> memref<104xi32, #tpu.memory_space<hbm>>
    tpu.enqueue_dma source(%dma_start3A_74 : memref<104xi32, #tpu.memory_space<hbm>>) target(%arg14 : memref<104xi32, #tpu.memory_space<vmem>>) target_semaphore(%arg18 : memref<!tpu.dma_semaphore, #tpu.memory_space<semaphore_mem>>)
    %mul3A_75 = arith.constant 400 : i32
    %mul3A_76 = arith.muli %add3A_50, %mul3A_75 : i32
    %dma_start3A_77 = arith.constant 0 : i32
    %dma_start3A_78 = tpu.memref_slice %arg2[%mul3A_76, %dma_start3A_77] : memref<100000x128xf32, #tpu.memory_space<hbm>> -> memref<400x128xf32, #tpu.memory_space<hbm>>
    %dma_start3A_79 = arith.constant 0 : i32
    %dma_start3A_80 = tpu.memref_slice %arg2[%mul3A_76, %dma_start3A_79] : memref<100000x128xf32, #tpu.memory_space<hbm>> -> memref<400x128xf32, #tpu.memory_space<hbm>>
    tpu.enqueue_dma source(%dma_start3A_80 : memref<400x128xf32, #tpu.memory_space<hbm>>) target(%arg6 : memref<400x128xf32, #tpu.memory_space<vmem>>) target_semaphore(%arg18 : memref<!tpu.dma_semaphore, #tpu.memory_space<semaphore_mem>>)
    %add3A_81 = arith.constant 1 : i32
    %add3A_82 = arith.addi %add3A_17, %add3A_81 : i32
    %jit3A_83 = arith.constant 2 : i32
    %div3A = arith.divsi %add3A_82, %jit3A_83 : i32
    %sign3A = arith.constant 0 : i32
    %sign3A_84 = arith.cmpi sgt, %add3A_82, %sign3A : i32
    %sign3A_85 = arith.extui %sign3A_84 : i1 to i32
    %sign3A_86 = arith.constant 0 : i32
    %sign3A_87 = arith.cmpi slt, %add3A_82, %sign3A_86 : i32
    %sign3A_88 = arith.extui %sign3A_87 : i1 to i32
    %sign3A_89 = arith.subi %sign3A_85, %sign3A_88 : i32
    %sign3A_90 = arith.constant 0 : i32
    %sign3A_91 = arith.cmpi sgt, %jit3A_83, %sign3A_90 : i32
    %sign3A_92 = arith.extui %sign3A_91 : i1 to i32
    %sign3A_93 = arith.constant 0 : i32
    %sign3A_94 = arith.cmpi slt, %jit3A_83, %sign3A_93 : i32
    %sign3A_95 = arith.extui %sign3A_94 : i1 to i32
    %sign3A_96 = arith.subi %sign3A_92, %sign3A_95 : i32
    %ne3A = arith.cmpi ne, %sign3A_89, %sign3A_96 : i32
    %rem3A = arith.remsi %add3A_82, %jit3A_83 : i32
    %ne3A_97 = arith.constant 0 : i32
    %ne3A_98 = arith.cmpi ne, %rem3A, %ne3A_97 : i32
    %and3A = arith.andi %ne3A, %ne3A_98 : i1
    %sub3A = arith.constant 1 : i32
    %sub3A_99 = arith.subi %div3A, %sub3A : i32
    %select_n3A_100 = arith.select %and3A, %sub3A_99, %div3A : i32
    %while3A = arith.constant 0 : i32
    %while3A_101 = arith.constant 0 : i32
    %while3A_102 = arith.subi %select_n3A_100, %while3A : i32
    %while3A_103 = arith.addi %while3A, %while3A_102 : i32
    %while3A_104 = arith.constant 1 : i32
    %while3A_105 = arith.divsi %while3A_102, %while3A_104 : i32
    %while3A_106 = arith.muli %while3A_105, %while3A_104 : i32
    %while3A_107 = arith.addi %while3A, %while3A_106 : i32
    %while3A_108 = arith.constant 1 : i32
    %while3A_109 = scf.for %while3A_120 = %while3A to %while3A_107 step %while3A_108 iter_args(%while3A_121 = %while3A_101) -> (i32)  : i32 {
      %mul3A_122 = arith.constant 2 : i32
      %mul3A_123 = arith.muli %mul3A_122, %while3A_120 : i32
      %lt3A_124 = arith.cmpi slt, %mul3A_123, %add3A_17 : i32
      %convert_element_type3A = arith.extui %lt3A_124 : i1 to i32
      %cond3A = arith.constant 0 : i32
      %cond3A_125 = arith.cmpi ne, %convert_element_type3A, %cond3A : i32
      scf.if %cond3A_125 {
        %dma_wait3A = arith.constant 0 : i32
        %dma_wait3A_133 = tpu.memref_slice %arg3[%dma_wait3A] : memref<100000xi32, #tpu.memory_space<hbm>> -> memref<96xi32, #tpu.memory_space<hbm>>
        %dma_wait3A_134 = arith.constant 0 : i32
        %dma_wait3A_135 = tpu.memref_slice %arg3[%dma_wait3A_134] : memref<100000xi32, #tpu.memory_space<hbm>> -> memref<96xi32, #tpu.memory_space<hbm>>
        tpu.wait_dma2 semaphore(%arg17 : memref<!tpu.dma_semaphore, #tpu.memory_space<semaphore_mem>>) src(%dma_wait3A_135 : memref<96xi32, #tpu.memory_space<hbm>>) dst(%arg7 : memref<96xi32, #tpu.memory_space<vmem>>)
        %dma_wait3A_136 = arith.constant 0 : i32
        %dma_wait3A_137 = tpu.memref_slice %arg3[%dma_wait3A_136] : memref<100000xi32, #tpu.memory_space<hbm>> -> memref<104xi32, #tpu.memory_space<hbm>>
        %dma_wait3A_138 = arith.constant 0 : i32
        %dma_wait3A_139 = tpu.memref_slice %arg3[%dma_wait3A_138] : memref<100000xi32, #tpu.memory_space<hbm>> -> memref<104xi32, #tpu.memory_space<hbm>>
        tpu.wait_dma2 semaphore(%arg17 : memref<!tpu.dma_semaphore, #tpu.memory_space<semaphore_mem>>) src(%dma_wait3A_139 : memref<104xi32, #tpu.memory_space<hbm>>) dst(%arg8 : memref<104xi32, #tpu.memory_space<vmem>>)
        %dma_wait3A_140 = arith.constant 0 : i32
        %dma_wait3A_141 = tpu.memref_slice %arg3[%dma_wait3A_140] : memref<100000xi32, #tpu.memory_space<hbm>> -> memref<96xi32, #tpu.memory_space<hbm>>
        %dma_wait3A_142 = arith.constant 0 : i32
        %dma_wait3A_143 = tpu.memref_slice %arg3[%dma_wait3A_142] : memref<100000xi32, #tpu.memory_space<hbm>> -> memref<96xi32, #tpu.memory_space<hbm>>
        tpu.wait_dma2 semaphore(%arg17 : memref<!tpu.dma_semaphore, #tpu.memory_space<semaphore_mem>>) src(%dma_wait3A_143 : memref<96xi32, #tpu.memory_space<hbm>>) dst(%arg9 : memref<96xi32, #tpu.memory_space<vmem>>)
        %dma_wait3A_144 = arith.constant 0 : i32
        %dma_wait3A_145 = tpu.memref_slice %arg3[%dma_wait3A_144] : memref<100000xi32, #tpu.memory_space<hbm>> -> memref<104xi32, #tpu.memory_space<hbm>>
        %dma_wait3A_146 = arith.constant 0 : i32
        %dma_wait3A_147 = tpu.memref_slice %arg3[%dma_wait3A_146] : memref<100000xi32, #tpu.memory_space<hbm>> -> memref<104xi32, #tpu.memory_space<hbm>>
        tpu.wait_dma2 semaphore(%arg17 : memref<!tpu.dma_semaphore, #tpu.memory_space<semaphore_mem>>) src(%dma_wait3A_147 : memref<104xi32, #tpu.memory_space<hbm>>) dst(%arg10 : memref<104xi32, #tpu.memory_space<vmem>>)
        %dma_wait3A_148 = arith.constant 0 : i32
        %dma_wait3A_149 = arith.constant 0 : i32
        %dma_wait3A_150 = tpu.memref_slice %arg2[%dma_wait3A_148, %dma_wait3A_149] : memref<100000x128xf32, #tpu.memory_space<hbm>> -> memref<400x128xf32, #tpu.memory_space<hbm>>
        %dma_wait3A_151 = arith.constant 0 : i32
        %dma_wait3A_152 = arith.constant 0 : i32
        %dma_wait3A_153 = tpu.memref_slice %arg2[%dma_wait3A_151, %dma_wait3A_152] : memref<100000x128xf32, #tpu.memory_space<hbm>> -> memref<400x128xf32, #tpu.memory_space<hbm>>
        tpu.wait_dma2 semaphore(%arg17 : memref<!tpu.dma_semaphore, #tpu.memory_space<semaphore_mem>>) src(%dma_wait3A_153 : memref<400x128xf32, #tpu.memory_space<hbm>>) dst(%arg5 : memref<400x128xf32, #tpu.memory_space<vmem>>)
        %dma_start3A_154 = arith.constant 0 : i32
        %dma_start3A_155 = arith.constant 0 : i32
        %dma_start3A_156 = tpu.memref_slice %arg5[%dma_start3A_154, %dma_start3A_155] : memref<400x128xf32, #tpu.memory_space<vmem>> -> memref<96x128xf32, #tpu.memory_space<vmem>>
        %dma_start3A_157 = arith.constant 0 : i32
        %dma_start3A_158 = arith.constant 0 : i32
        %dma_start3A_159 = tpu.memref_slice %arg16[%dma_start3A_157, %dma_start3A_158] : memref<512x128xf32, #tpu.memory_space<vmem_shared>> -> memref<512x128xf32, #tpu.memory_space<vmem_shared>>
        tpu.enqueue_indirect_dma source(%dma_start3A_156 : memref<96x128xf32, #tpu.memory_space<vmem>>) target(%dma_start3A_159 : memref<512x128xf32, #tpu.memory_space<vmem_shared>>) offsets(%arg7 : memref<96xi32, #tpu.memory_space<vmem>>) semaphore(%arg19 : memref<!tpu.dma_semaphore, #tpu.memory_space<semaphore_mem>>) {add = true}
        %dma_start3A_160 = arith.constant 96 : i32
        %dma_start3A_161 = arith.constant 0 : i32
        %dma_start3A_162 = tpu.memref_slice %arg5[%dma_start3A_160, %dma_start3A_161] : memref<400x128xf32, #tpu.memory_space<vmem>> -> memref<104x128xf32, #tpu.memory_space<vmem>>
        %dma_start3A_163 = arith.constant 0 : i32
        %dma_start3A_164 = arith.constant 0 : i32
        %dma_start3A_165 = tpu.memref_slice %arg16[%dma_start3A_163, %dma_start3A_164] : memref<512x128xf32, #tpu.memory_space<vmem_shared>> -> memref<512x128xf32, #tpu.memory_space<vmem_shared>>
        tpu.enqueue_indirect_dma source(%dma_start3A_162 : memref<104x128xf32, #tpu.memory_space<vmem>>) target(%dma_start3A_165 : memref<512x128xf32, #tpu.memory_space<vmem_shared>>) offsets(%arg8 : memref<104xi32, #tpu.memory_space<vmem>>) semaphore(%arg19 : memref<!tpu.dma_semaphore, #tpu.memory_space<semaphore_mem>>) {add = true}
        %dma_start3A_166 = arith.constant 200 : i32
        %dma_start3A_167 = arith.constant 0 : i32
        %dma_start3A_168 = tpu.memref_slice %arg5[%dma_start3A_166, %dma_start3A_167] : memref<400x128xf32, #tpu.memory_space<vmem>> -> memref<96x128xf32, #tpu.memory_space<vmem>>
        %dma_start3A_169 = arith.constant 0 : i32
        %dma_start3A_170 = arith.constant 0 : i32
        %dma_start3A_171 = tpu.memref_slice %arg16[%dma_start3A_169, %dma_start3A_170] : memref<512x128xf32, #tpu.memory_space<vmem_shared>> -> memref<512x128xf32, #tpu.memory_space<vmem_shared>>
        tpu.enqueue_indirect_dma source(%dma_start3A_168 : memref<96x128xf32, #tpu.memory_space<vmem>>) target(%dma_start3A_171 : memref<512x128xf32, #tpu.memory_space<vmem_shared>>) offsets(%arg9 : memref<96xi32, #tpu.memory_space<vmem>>) semaphore(%arg19 : memref<!tpu.dma_semaphore, #tpu.memory_space<semaphore_mem>>) {add = true}
        %dma_start3A_172 = arith.constant 296 : i32
        %dma_start3A_173 = arith.constant 0 : i32
        %dma_start3A_174 = tpu.memref_slice %arg5[%dma_start3A_172, %dma_start3A_173] : memref<400x128xf32, #tpu.memory_space<vmem>> -> memref<104x128xf32, #tpu.memory_space<vmem>>
        %dma_start3A_175 = arith.constant 0 : i32
        %dma_start3A_176 = arith.constant 0 : i32
        %dma_start3A_177 = tpu.memref_slice %arg16[%dma_start3A_175, %dma_start3A_176] : memref<512x128xf32, #tpu.memory_space<vmem_shared>> -> memref<512x128xf32, #tpu.memory_space<vmem_shared>>
        tpu.enqueue_indirect_dma source(%dma_start3A_174 : memref<104x128xf32, #tpu.memory_space<vmem>>) target(%dma_start3A_177 : memref<512x128xf32, #tpu.memory_space<vmem_shared>>) offsets(%arg10 : memref<104xi32, #tpu.memory_space<vmem>>) semaphore(%arg19 : memref<!tpu.dma_semaphore, #tpu.memory_space<semaphore_mem>>) {add = true}
        %dma_wait3A_178 = arith.constant 0 : i32
        %dma_wait3A_179 = arith.constant 0 : i32
        %dma_wait3A_180 = tpu.memref_slice %arg5[%dma_wait3A_178, %dma_wait3A_179] : memref<400x128xf32, #tpu.memory_space<vmem>> -> memref<96x128xf32, #tpu.memory_space<vmem>>
        %dma_wait3A_181 = arith.constant 0 : i32
        %dma_wait3A_182 = arith.constant 0 : i32
        %dma_wait3A_183 = tpu.memref_slice %arg16[%dma_wait3A_181, %dma_wait3A_182] : memref<512x128xf32, #tpu.memory_space<vmem_shared>> -> memref<512x128xf32, #tpu.memory_space<vmem_shared>>
        tpu.wait_indirect_dma semaphore(%arg19 : memref<!tpu.dma_semaphore, #tpu.memory_space<semaphore_mem>>) src(%dma_wait3A_180 : memref<96x128xf32, #tpu.memory_space<vmem>>) dst(%dma_wait3A_183 : memref<512x128xf32, #tpu.memory_space<vmem_shared>>)
        %dma_wait3A_184 = arith.constant 96 : i32
        %dma_wait3A_185 = arith.constant 0 : i32
        %dma_wait3A_186 = tpu.memref_slice %arg5[%dma_wait3A_184, %dma_wait3A_185] : memref<400x128xf32, #tpu.memory_space<vmem>> -> memref<104x128xf32, #tpu.memory_space<vmem>>
        %dma_wait3A_187 = arith.constant 0 : i32
        %dma_wait3A_188 = arith.constant 0 : i32
        %dma_wait3A_189 = tpu.memref_slice %arg16[%dma_wait3A_187, %dma_wait3A_188] : memref<512x128xf32, #tpu.memory_space<vmem_shared>> -> memref<512x128xf32, #tpu.memory_space<vmem_shared>>
        tpu.wait_indirect_dma semaphore(%arg19 : memref<!tpu.dma_semaphore, #tpu.memory_space<semaphore_mem>>) src(%dma_wait3A_186 : memref<104x128xf32, #tpu.memory_space<vmem>>) dst(%dma_wait3A_189 : memref<512x128xf32, #tpu.memory_space<vmem_shared>>)
        %dma_wait3A_190 = arith.constant 200 : i32
        %dma_wait3A_191 = arith.constant 0 : i32
        %dma_wait3A_192 = tpu.memref_slice %arg5[%dma_wait3A_190, %dma_wait3A_191] : memref<400x128xf32, #tpu.memory_space<vmem>> -> memref<96x128xf32, #tpu.memory_space<vmem>>
        %dma_wait3A_193 = arith.constant 0 : i32
        %dma_wait3A_194 = arith.constant 0 : i32
        %dma_wait3A_195 = tpu.memref_slice %arg16[%dma_wait3A_193, %dma_wait3A_194] : memref<512x128xf32, #tpu.memory_space<vmem_shared>> -> memref<512x128xf32, #tpu.memory_space<vmem_shared>>
        tpu.wait_indirect_dma semaphore(%arg19 : memref<!tpu.dma_semaphore, #tpu.memory_space<semaphore_mem>>) src(%dma_wait3A_192 : memref<96x128xf32, #tpu.memory_space<vmem>>) dst(%dma_wait3A_195 : memref<512x128xf32, #tpu.memory_space<vmem_shared>>)
        %dma_wait3A_196 = arith.constant 296 : i32
        %dma_wait3A_197 = arith.constant 0 : i32
        %dma_wait3A_198 = tpu.memref_slice %arg5[%dma_wait3A_196, %dma_wait3A_197] : memref<400x128xf32, #tpu.memory_space<vmem>> -> memref<104x128xf32, #tpu.memory_space<vmem>>
        %dma_wait3A_199 = arith.constant 0 : i32
        %dma_wait3A_200 = arith.constant 0 : i32
        %dma_wait3A_201 = tpu.memref_slice %arg16[%dma_wait3A_199, %dma_wait3A_200] : memref<512x128xf32, #tpu.memory_space<vmem_shared>> -> memref<512x128xf32, #tpu.memory_space<vmem_shared>>
        tpu.wait_indirect_dma semaphore(%arg19 : memref<!tpu.dma_semaphore, #tpu.memory_space<semaphore_mem>>) src(%dma_wait3A_198 : memref<104x128xf32, #tpu.memory_space<vmem>>) dst(%dma_wait3A_201 : memref<512x128xf32, #tpu.memory_space<vmem_shared>>)
        %add3A_202 = arith.constant 2 : i32
        %add3A_203 = arith.addi %mul3A_123, %add3A_202 : i32
        %lt3A_204 = arith.cmpi slt, %add3A_203, %add3A_17 : i32
        %convert_element_type3A_205 = arith.extui %lt3A_204 : i1 to i32
        %cond3A_206 = arith.constant 0 : i32
        %cond3A_207 = arith.cmpi ne, %convert_element_type3A_205, %cond3A_206 : i32
        scf.if %cond3A_207 {
          %add3A_208 = arith.constant 2 : i32
          %add3A_209 = arith.addi %mul3A_123, %add3A_208 : i32
          %add3A_210 = arith.addi %add3A_13, %add3A_209 : i32
          %mul3A_211 = arith.constant 400 : i32
          %mul3A_212 = arith.muli %add3A_210, %mul3A_211 : i32
          %add3A_213 = arith.constant 0 : i32
          %add3A_214 = arith.addi %mul3A_212, %add3A_213 : i32
          %dma_start3A_215 = tpu.memref_slice %arg3[%add3A_214] : memref<100000xi32, #tpu.memory_space<hbm>> -> memref<96xi32, #tpu.memory_space<hbm>>
          %dma_start3A_216 = tpu.memref_slice %arg3[%add3A_214] : memref<100000xi32, #tpu.memory_space<hbm>> -> memref<96xi32, #tpu.memory_space<hbm>>
          tpu.enqueue_dma source(%dma_start3A_216 : memref<96xi32, #tpu.memory_space<hbm>>) target(%arg7 : memref<96xi32, #tpu.memory_space<vmem>>) target_semaphore(%arg17 : memref<!tpu.dma_semaphore, #tpu.memory_space<semaphore_mem>>)
          %mul3A_217 = arith.constant 400 : i32
          %mul3A_218 = arith.muli %add3A_210, %mul3A_217 : i32
          %add3A_219 = arith.constant 96 : i32
          %add3A_220 = arith.addi %mul3A_218, %add3A_219 : i32
          %dma_start3A_221 = tpu.memref_slice %arg3[%add3A_220] : memref<100000xi32, #tpu.memory_space<hbm>> -> memref<104xi32, #tpu.memory_space<hbm>>
          %dma_start3A_222 = tpu.memref_slice %arg3[%add3A_220] : memref<100000xi32, #tpu.memory_space<hbm>> -> memref<104xi32, #tpu.memory_space<hbm>>
          tpu.enqueue_dma source(%dma_start3A_222 : memref<104xi32, #tpu.memory_space<hbm>>) target(%arg8 : memref<104xi32, #tpu.memory_space<vmem>>) target_semaphore(%arg17 : memref<!tpu.dma_semaphore, #tpu.memory_space<semaphore_mem>>)
          %mul3A_223 = arith.constant 400 : i32
          %mul3A_224 = arith.muli %add3A_210, %mul3A_223 : i32
          %add3A_225 = arith.constant 200 : i32
          %add3A_226 = arith.addi %mul3A_224, %add3A_225 : i32
          %dma_start3A_227 = tpu.memref_slice %arg3[%add3A_226] : memref<100000xi32, #tpu.memory_space<hbm>> -> memref<96xi32, #tpu.memory_space<hbm>>
          %dma_start3A_228 = tpu.memref_slice %arg3[%add3A_226] : memref<100000xi32, #tpu.memory_space<hbm>> -> memref<96xi32, #tpu.memory_space<hbm>>
          tpu.enqueue_dma source(%dma_start3A_228 : memref<96xi32, #tpu.memory_space<hbm>>) target(%arg9 : memref<96xi32, #tpu.memory_space<vmem>>) target_semaphore(%arg17 : memref<!tpu.dma_semaphore, #tpu.memory_space<semaphore_mem>>)
          %mul3A_229 = arith.constant 400 : i32
          %mul3A_230 = arith.muli %add3A_210, %mul3A_229 : i32
          %add3A_231 = arith.constant 296 : i32
          %add3A_232 = arith.addi %mul3A_230, %add3A_231 : i32
          %dma_start3A_233 = tpu.memref_slice %arg3[%add3A_232] : memref<100000xi32, #tpu.memory_space<hbm>> -> memref<104xi32, #tpu.memory_space<hbm>>
          %dma_start3A_234 = tpu.memref_slice %arg3[%add3A_232] : memref<100000xi32, #tpu.memory_space<hbm>> -> memref<104xi32, #tpu.memory_space<hbm>>
          tpu.enqueue_dma source(%dma_start3A_234 : memref<104xi32, #tpu.memory_space<hbm>>) target(%arg10 : memref<104xi32, #tpu.memory_space<vmem>>) target_semaphore(%arg17 : memref<!tpu.dma_semaphore, #tpu.memory_space<semaphore_mem>>)
          %mul3A_235 = arith.constant 400 : i32
          %mul3A_236 = arith.muli %add3A_210, %mul3A_235 : i32
          %dma_start3A_237 = arith.constant 0 : i32
          %dma_start3A_238 = tpu.memref_slice %arg2[%mul3A_236, %dma_start3A_237] : memref<100000x128xf32, #tpu.memory_space<hbm>> -> memref<400x128xf32, #tpu.memory_space<hbm>>
          %dma_start3A_239 = arith.constant 0 : i32
          %dma_start3A_240 = tpu.memref_slice %arg2[%mul3A_236, %dma_start3A_239] : memref<100000x128xf32, #tpu.memory_space<hbm>> -> memref<400x128xf32, #tpu.memory_space<hbm>>
          tpu.enqueue_dma source(%dma_start3A_240 : memref<400x128xf32, #tpu.memory_space<hbm>>) target(%arg5 : memref<400x128xf32, #tpu.memory_space<vmem>>) target_semaphore(%arg17 : memref<!tpu.dma_semaphore, #tpu.memory_space<semaphore_mem>>)
        } else {
        }
      } else {
      }
      %add3A_126 = arith.constant 1 : i32
      %add3A_127 = arith.addi %mul3A_123, %add3A_126 : i32
      %lt3A_128 = arith.cmpi slt, %add3A_127, %add3A_17 : i32
      %convert_element_type3A_129 = arith.extui %lt3A_128 : i1 to i32
      %cond3A_130 = arith.constant 0 : i32
      %cond3A_131 = arith.cmpi ne, %convert_element_type3A_129, %cond3A_130 : i32
      scf.if %cond3A_131 {
        %add3A_133 = arith.constant 1 : i32
        %add3A_134 = arith.addi %mul3A_123, %add3A_133 : i32
        %dma_wait3A = arith.constant 0 : i32
        %dma_wait3A_135 = tpu.memref_slice %arg3[%dma_wait3A] : memref<100000xi32, #tpu.memory_space<hbm>> -> memref<96xi32, #tpu.memory_space<hbm>>
        %dma_wait3A_136 = arith.constant 0 : i32
        %dma_wait3A_137 = tpu.memref_slice %arg3[%dma_wait3A_136] : memref<100000xi32, #tpu.memory_space<hbm>> -> memref<96xi32, #tpu.memory_space<hbm>>
        tpu.wait_dma2 semaphore(%arg18 : memref<!tpu.dma_semaphore, #tpu.memory_space<semaphore_mem>>) src(%dma_wait3A_137 : memref<96xi32, #tpu.memory_space<hbm>>) dst(%arg11 : memref<96xi32, #tpu.memory_space<vmem>>)
        %dma_wait3A_138 = arith.constant 0 : i32
        %dma_wait3A_139 = tpu.memref_slice %arg3[%dma_wait3A_138] : memref<100000xi32, #tpu.memory_space<hbm>> -> memref<104xi32, #tpu.memory_space<hbm>>
        %dma_wait3A_140 = arith.constant 0 : i32
        %dma_wait3A_141 = tpu.memref_slice %arg3[%dma_wait3A_140] : memref<100000xi32, #tpu.memory_space<hbm>> -> memref<104xi32, #tpu.memory_space<hbm>>
        tpu.wait_dma2 semaphore(%arg18 : memref<!tpu.dma_semaphore, #tpu.memory_space<semaphore_mem>>) src(%dma_wait3A_141 : memref<104xi32, #tpu.memory_space<hbm>>) dst(%arg12 : memref<104xi32, #tpu.memory_space<vmem>>)
        %dma_wait3A_142 = arith.constant 0 : i32
        %dma_wait3A_143 = tpu.memref_slice %arg3[%dma_wait3A_142] : memref<100000xi32, #tpu.memory_space<hbm>> -> memref<96xi32, #tpu.memory_space<hbm>>
        %dma_wait3A_144 = arith.constant 0 : i32
        %dma_wait3A_145 = tpu.memref_slice %arg3[%dma_wait3A_144] : memref<100000xi32, #tpu.memory_space<hbm>> -> memref<96xi32, #tpu.memory_space<hbm>>
        tpu.wait_dma2 semaphore(%arg18 : memref<!tpu.dma_semaphore, #tpu.memory_space<semaphore_mem>>) src(%dma_wait3A_145 : memref<96xi32, #tpu.memory_space<hbm>>) dst(%arg13 : memref<96xi32, #tpu.memory_space<vmem>>)
        %dma_wait3A_146 = arith.constant 0 : i32
        %dma_wait3A_147 = tpu.memref_slice %arg3[%dma_wait3A_146] : memref<100000xi32, #tpu.memory_space<hbm>> -> memref<104xi32, #tpu.memory_space<hbm>>
        %dma_wait3A_148 = arith.constant 0 : i32
        %dma_wait3A_149 = tpu.memref_slice %arg3[%dma_wait3A_148] : memref<100000xi32, #tpu.memory_space<hbm>> -> memref<104xi32, #tpu.memory_space<hbm>>
        tpu.wait_dma2 semaphore(%arg18 : memref<!tpu.dma_semaphore, #tpu.memory_space<semaphore_mem>>) src(%dma_wait3A_149 : memref<104xi32, #tpu.memory_space<hbm>>) dst(%arg14 : memref<104xi32, #tpu.memory_space<vmem>>)
        %dma_wait3A_150 = arith.constant 0 : i32
        %dma_wait3A_151 = arith.constant 0 : i32
        %dma_wait3A_152 = tpu.memref_slice %arg2[%dma_wait3A_150, %dma_wait3A_151] : memref<100000x128xf32, #tpu.memory_space<hbm>> -> memref<400x128xf32, #tpu.memory_space<hbm>>
        %dma_wait3A_153 = arith.constant 0 : i32
        %dma_wait3A_154 = arith.constant 0 : i32
        %dma_wait3A_155 = tpu.memref_slice %arg2[%dma_wait3A_153, %dma_wait3A_154] : memref<100000x128xf32, #tpu.memory_space<hbm>> -> memref<400x128xf32, #tpu.memory_space<hbm>>
        tpu.wait_dma2 semaphore(%arg18 : memref<!tpu.dma_semaphore, #tpu.memory_space<semaphore_mem>>) src(%dma_wait3A_155 : memref<400x128xf32, #tpu.memory_space<hbm>>) dst(%arg6 : memref<400x128xf32, #tpu.memory_space<vmem>>)
        %dma_start3A_156 = arith.constant 0 : i32
        %dma_start3A_157 = arith.constant 0 : i32
        %dma_start3A_158 = tpu.memref_slice %arg6[%dma_start3A_156, %dma_start3A_157] : memref<400x128xf32, #tpu.memory_space<vmem>> -> memref<96x128xf32, #tpu.memory_space<vmem>>
        %dma_start3A_159 = arith.constant 0 : i32
        %dma_start3A_160 = arith.constant 0 : i32
        %dma_start3A_161 = tpu.memref_slice %arg16[%dma_start3A_159, %dma_start3A_160] : memref<512x128xf32, #tpu.memory_space<vmem_shared>> -> memref<512x128xf32, #tpu.memory_space<vmem_shared>>
        tpu.enqueue_indirect_dma source(%dma_start3A_158 : memref<96x128xf32, #tpu.memory_space<vmem>>) target(%dma_start3A_161 : memref<512x128xf32, #tpu.memory_space<vmem_shared>>) offsets(%arg11 : memref<96xi32, #tpu.memory_space<vmem>>) semaphore(%arg20 : memref<!tpu.dma_semaphore, #tpu.memory_space<semaphore_mem>>) {add = true}
        %dma_start3A_162 = arith.constant 96 : i32
        %dma_start3A_163 = arith.constant 0 : i32
        %dma_start3A_164 = tpu.memref_slice %arg6[%dma_start3A_162, %dma_start3A_163] : memref<400x128xf32, #tpu.memory_space<vmem>> -> memref<104x128xf32, #tpu.memory_space<vmem>>
        %dma_start3A_165 = arith.constant 0 : i32
        %dma_start3A_166 = arith.constant 0 : i32
        %dma_start3A_167 = tpu.memref_slice %arg16[%dma_start3A_165, %dma_start3A_166] : memref<512x128xf32, #tpu.memory_space<vmem_shared>> -> memref<512x128xf32, #tpu.memory_space<vmem_shared>>
        tpu.enqueue_indirect_dma source(%dma_start3A_164 : memref<104x128xf32, #tpu.memory_space<vmem>>) target(%dma_start3A_167 : memref<512x128xf32, #tpu.memory_space<vmem_shared>>) offsets(%arg12 : memref<104xi32, #tpu.memory_space<vmem>>) semaphore(%arg20 : memref<!tpu.dma_semaphore, #tpu.memory_space<semaphore_mem>>) {add = true}
        %dma_start3A_168 = arith.constant 200 : i32
        %dma_start3A_169 = arith.constant 0 : i32
        %dma_start3A_170 = tpu.memref_slice %arg6[%dma_start3A_168, %dma_start3A_169] : memref<400x128xf32, #tpu.memory_space<vmem>> -> memref<96x128xf32, #tpu.memory_space<vmem>>
        %dma_start3A_171 = arith.constant 0 : i32
        %dma_start3A_172 = arith.constant 0 : i32
        %dma_start3A_173 = tpu.memref_slice %arg16[%dma_start3A_171, %dma_start3A_172] : memref<512x128xf32, #tpu.memory_space<vmem_shared>> -> memref<512x128xf32, #tpu.memory_space<vmem_shared>>
        tpu.enqueue_indirect_dma source(%dma_start3A_170 : memref<96x128xf32, #tpu.memory_space<vmem>>) target(%dma_start3A_173 : memref<512x128xf32, #tpu.memory_space<vmem_shared>>) offsets(%arg13 : memref<96xi32, #tpu.memory_space<vmem>>) semaphore(%arg20 : memref<!tpu.dma_semaphore, #tpu.memory_space<semaphore_mem>>) {add = true}
        %dma_start3A_174 = arith.constant 296 : i32
        %dma_start3A_175 = arith.constant 0 : i32
        %dma_start3A_176 = tpu.memref_slice %arg6[%dma_start3A_174, %dma_start3A_175] : memref<400x128xf32, #tpu.memory_space<vmem>> -> memref<104x128xf32, #tpu.memory_space<vmem>>
        %dma_start3A_177 = arith.constant 0 : i32
        %dma_start3A_178 = arith.constant 0 : i32
        %dma_start3A_179 = tpu.memref_slice %arg16[%dma_start3A_177, %dma_start3A_178] : memref<512x128xf32, #tpu.memory_space<vmem_shared>> -> memref<512x128xf32, #tpu.memory_space<vmem_shared>>
        tpu.enqueue_indirect_dma source(%dma_start3A_176 : memref<104x128xf32, #tpu.memory_space<vmem>>) target(%dma_start3A_179 : memref<512x128xf32, #tpu.memory_space<vmem_shared>>) offsets(%arg14 : memref<104xi32, #tpu.memory_space<vmem>>) semaphore(%arg20 : memref<!tpu.dma_semaphore, #tpu.memory_space<semaphore_mem>>) {add = true}
        %dma_wait3A_180 = arith.constant 0 : i32
        %dma_wait3A_181 = arith.constant 0 : i32
        %dma_wait3A_182 = tpu.memref_slice %arg6[%dma_wait3A_180, %dma_wait3A_181] : memref<400x128xf32, #tpu.memory_space<vmem>> -> memref<96x128xf32, #tpu.memory_space<vmem>>
        %dma_wait3A_183 = arith.constant 0 : i32
        %dma_wait3A_184 = arith.constant 0 : i32
        %dma_wait3A_185 = tpu.memref_slice %arg16[%dma_wait3A_183, %dma_wait3A_184] : memref<512x128xf32, #tpu.memory_space<vmem_shared>> -> memref<512x128xf32, #tpu.memory_space<vmem_shared>>
        tpu.wait_indirect_dma semaphore(%arg20 : memref<!tpu.dma_semaphore, #tpu.memory_space<semaphore_mem>>) src(%dma_wait3A_182 : memref<96x128xf32, #tpu.memory_space<vmem>>) dst(%dma_wait3A_185 : memref<512x128xf32, #tpu.memory_space<vmem_shared>>)
        %dma_wait3A_186 = arith.constant 96 : i32
        %dma_wait3A_187 = arith.constant 0 : i32
        %dma_wait3A_188 = tpu.memref_slice %arg6[%dma_wait3A_186, %dma_wait3A_187] : memref<400x128xf32, #tpu.memory_space<vmem>> -> memref<104x128xf32, #tpu.memory_space<vmem>>
        %dma_wait3A_189 = arith.constant 0 : i32
        %dma_wait3A_190 = arith.constant 0 : i32
        %dma_wait3A_191 = tpu.memref_slice %arg16[%dma_wait3A_189, %dma_wait3A_190] : memref<512x128xf32, #tpu.memory_space<vmem_shared>> -> memref<512x128xf32, #tpu.memory_space<vmem_shared>>
        tpu.wait_indirect_dma semaphore(%arg20 : memref<!tpu.dma_semaphore, #tpu.memory_space<semaphore_mem>>) src(%dma_wait3A_188 : memref<104x128xf32, #tpu.memory_space<vmem>>) dst(%dma_wait3A_191 : memref<512x128xf32, #tpu.memory_space<vmem_shared>>)
        %dma_wait3A_192 = arith.constant 200 : i32
        %dma_wait3A_193 = arith.constant 0 : i32
        %dma_wait3A_194 = tpu.memref_slice %arg6[%dma_wait3A_192, %dma_wait3A_193] : memref<400x128xf32, #tpu.memory_space<vmem>> -> memref<96x128xf32, #tpu.memory_space<vmem>>
        %dma_wait3A_195 = arith.constant 0 : i32
        %dma_wait3A_196 = arith.constant 0 : i32
        %dma_wait3A_197 = tpu.memref_slice %arg16[%dma_wait3A_195, %dma_wait3A_196] : memref<512x128xf32, #tpu.memory_space<vmem_shared>> -> memref<512x128xf32, #tpu.memory_space<vmem_shared>>
        tpu.wait_indirect_dma semaphore(%arg20 : memref<!tpu.dma_semaphore, #tpu.memory_space<semaphore_mem>>) src(%dma_wait3A_194 : memref<96x128xf32, #tpu.memory_space<vmem>>) dst(%dma_wait3A_197 : memref<512x128xf32, #tpu.memory_space<vmem_shared>>)
        %dma_wait3A_198 = arith.constant 296 : i32
        %dma_wait3A_199 = arith.constant 0 : i32
        %dma_wait3A_200 = tpu.memref_slice %arg6[%dma_wait3A_198, %dma_wait3A_199] : memref<400x128xf32, #tpu.memory_space<vmem>> -> memref<104x128xf32, #tpu.memory_space<vmem>>
        %dma_wait3A_201 = arith.constant 0 : i32
        %dma_wait3A_202 = arith.constant 0 : i32
        %dma_wait3A_203 = tpu.memref_slice %arg16[%dma_wait3A_201, %dma_wait3A_202] : memref<512x128xf32, #tpu.memory_space<vmem_shared>> -> memref<512x128xf32, #tpu.memory_space<vmem_shared>>
        tpu.wait_indirect_dma semaphore(%arg20 : memref<!tpu.dma_semaphore, #tpu.memory_space<semaphore_mem>>) src(%dma_wait3A_200 : memref<104x128xf32, #tpu.memory_space<vmem>>) dst(%dma_wait3A_203 : memref<512x128xf32, #tpu.memory_space<vmem_shared>>)
        %add3A_204 = arith.constant 2 : i32
        %add3A_205 = arith.addi %add3A_134, %add3A_204 : i32
        %lt3A_206 = arith.cmpi slt, %add3A_205, %add3A_17 : i32
        %convert_element_type3A_207 = arith.extui %lt3A_206 : i1 to i32
        %cond3A_208 = arith.constant 0 : i32
        %cond3A_209 = arith.cmpi ne, %convert_element_type3A_207, %cond3A_208 : i32
        scf.if %cond3A_209 {
          %add3A_210 = arith.constant 2 : i32
          %add3A_211 = arith.addi %add3A_134, %add3A_210 : i32
          %add3A_212 = arith.addi %add3A_13, %add3A_211 : i32
          %mul3A_213 = arith.constant 400 : i32
          %mul3A_214 = arith.muli %add3A_212, %mul3A_213 : i32
          %add3A_215 = arith.constant 0 : i32
          %add3A_216 = arith.addi %mul3A_214, %add3A_215 : i32
          %dma_start3A_217 = tpu.memref_slice %arg3[%add3A_216] : memref<100000xi32, #tpu.memory_space<hbm>> -> memref<96xi32, #tpu.memory_space<hbm>>
          %dma_start3A_218 = tpu.memref_slice %arg3[%add3A_216] : memref<100000xi32, #tpu.memory_space<hbm>> -> memref<96xi32, #tpu.memory_space<hbm>>
          tpu.enqueue_dma source(%dma_start3A_218 : memref<96xi32, #tpu.memory_space<hbm>>) target(%arg11 : memref<96xi32, #tpu.memory_space<vmem>>) target_semaphore(%arg18 : memref<!tpu.dma_semaphore, #tpu.memory_space<semaphore_mem>>)
          %mul3A_219 = arith.constant 400 : i32
          %mul3A_220 = arith.muli %add3A_212, %mul3A_219 : i32
          %add3A_221 = arith.constant 96 : i32
          %add3A_222 = arith.addi %mul3A_220, %add3A_221 : i32
          %dma_start3A_223 = tpu.memref_slice %arg3[%add3A_222] : memref<100000xi32, #tpu.memory_space<hbm>> -> memref<104xi32, #tpu.memory_space<hbm>>
          %dma_start3A_224 = tpu.memref_slice %arg3[%add3A_222] : memref<100000xi32, #tpu.memory_space<hbm>> -> memref<104xi32, #tpu.memory_space<hbm>>
          tpu.enqueue_dma source(%dma_start3A_224 : memref<104xi32, #tpu.memory_space<hbm>>) target(%arg12 : memref<104xi32, #tpu.memory_space<vmem>>) target_semaphore(%arg18 : memref<!tpu.dma_semaphore, #tpu.memory_space<semaphore_mem>>)
          %mul3A_225 = arith.constant 400 : i32
          %mul3A_226 = arith.muli %add3A_212, %mul3A_225 : i32
          %add3A_227 = arith.constant 200 : i32
          %add3A_228 = arith.addi %mul3A_226, %add3A_227 : i32
          %dma_start3A_229 = tpu.memref_slice %arg3[%add3A_228] : memref<100000xi32, #tpu.memory_space<hbm>> -> memref<96xi32, #tpu.memory_space<hbm>>
          %dma_start3A_230 = tpu.memref_slice %arg3[%add3A_228] : memref<100000xi32, #tpu.memory_space<hbm>> -> memref<96xi32, #tpu.memory_space<hbm>>
          tpu.enqueue_dma source(%dma_start3A_230 : memref<96xi32, #tpu.memory_space<hbm>>) target(%arg13 : memref<96xi32, #tpu.memory_space<vmem>>) target_semaphore(%arg18 : memref<!tpu.dma_semaphore, #tpu.memory_space<semaphore_mem>>)
          %mul3A_231 = arith.constant 400 : i32
          %mul3A_232 = arith.muli %add3A_212, %mul3A_231 : i32
          %add3A_233 = arith.constant 296 : i32
          %add3A_234 = arith.addi %mul3A_232, %add3A_233 : i32
          %dma_start3A_235 = tpu.memref_slice %arg3[%add3A_234] : memref<100000xi32, #tpu.memory_space<hbm>> -> memref<104xi32, #tpu.memory_space<hbm>>
          %dma_start3A_236 = tpu.memref_slice %arg3[%add3A_234] : memref<100000xi32, #tpu.memory_space<hbm>> -> memref<104xi32, #tpu.memory_space<hbm>>
          tpu.enqueue_dma source(%dma_start3A_236 : memref<104xi32, #tpu.memory_space<hbm>>) target(%arg14 : memref<104xi32, #tpu.memory_space<vmem>>) target_semaphore(%arg18 : memref<!tpu.dma_semaphore, #tpu.memory_space<semaphore_mem>>)
          %mul3A_237 = arith.constant 400 : i32
          %mul3A_238 = arith.muli %add3A_212, %mul3A_237 : i32
          %dma_start3A_239 = arith.constant 0 : i32
          %dma_start3A_240 = tpu.memref_slice %arg2[%mul3A_238, %dma_start3A_239] : memref<100000x128xf32, #tpu.memory_space<hbm>> -> memref<400x128xf32, #tpu.memory_space<hbm>>
          %dma_start3A_241 = arith.constant 0 : i32
          %dma_start3A_242 = tpu.memref_slice %arg2[%mul3A_238, %dma_start3A_241] : memref<100000x128xf32, #tpu.memory_space<hbm>> -> memref<400x128xf32, #tpu.memory_space<hbm>>
          tpu.enqueue_dma source(%dma_start3A_242 : memref<400x128xf32, #tpu.memory_space<hbm>>) target(%arg6 : memref<400x128xf32, #tpu.memory_space<vmem>>) target_semaphore(%arg18 : memref<!tpu.dma_semaphore, #tpu.memory_space<semaphore_mem>>)
        } else {
        }
      } else {
      }
      %while3A_132 = arith.constant 0 : i32
      scf.yield %while3A_132 : i32
    }
    %while3A_110 = arith.constant 1 : i32
    %while3A_111 = scf.for %while3A_120 = %while3A_107 to %while3A_103 step %while3A_110 iter_args(%while3A_121 = %while3A_109) -> (i32)  : i32 {
      %mul3A_122 = arith.constant 2 : i32
      %mul3A_123 = arith.muli %mul3A_122, %while3A_120 : i32
      %lt3A_124 = arith.cmpi slt, %mul3A_123, %add3A_17 : i32
      %convert_element_type3A = arith.extui %lt3A_124 : i1 to i32
      %cond3A = arith.constant 0 : i32
      %cond3A_125 = arith.cmpi ne, %convert_element_type3A, %cond3A : i32
      scf.if %cond3A_125 {
        %dma_wait3A = arith.constant 0 : i32
        %dma_wait3A_133 = tpu.memref_slice %arg3[%dma_wait3A] : memref<100000xi32, #tpu.memory_space<hbm>> -> memref<96xi32, #tpu.memory_space<hbm>>
        %dma_wait3A_134 = arith.constant 0 : i32
        %dma_wait3A_135 = tpu.memref_slice %arg3[%dma_wait3A_134] : memref<100000xi32, #tpu.memory_space<hbm>> -> memref<96xi32, #tpu.memory_space<hbm>>
        tpu.wait_dma2 semaphore(%arg17 : memref<!tpu.dma_semaphore, #tpu.memory_space<semaphore_mem>>) src(%dma_wait3A_135 : memref<96xi32, #tpu.memory_space<hbm>>) dst(%arg7 : memref<96xi32, #tpu.memory_space<vmem>>)
        %dma_wait3A_136 = arith.constant 0 : i32
        %dma_wait3A_137 = tpu.memref_slice %arg3[%dma_wait3A_136] : memref<100000xi32, #tpu.memory_space<hbm>> -> memref<104xi32, #tpu.memory_space<hbm>>
        %dma_wait3A_138 = arith.constant 0 : i32
        %dma_wait3A_139 = tpu.memref_slice %arg3[%dma_wait3A_138] : memref<100000xi32, #tpu.memory_space<hbm>> -> memref<104xi32, #tpu.memory_space<hbm>>
        tpu.wait_dma2 semaphore(%arg17 : memref<!tpu.dma_semaphore, #tpu.memory_space<semaphore_mem>>) src(%dma_wait3A_139 : memref<104xi32, #tpu.memory_space<hbm>>) dst(%arg8 : memref<104xi32, #tpu.memory_space<vmem>>)
        %dma_wait3A_140 = arith.constant 0 : i32
        %dma_wait3A_141 = tpu.memref_slice %arg3[%dma_wait3A_140] : memref<100000xi32, #tpu.memory_space<hbm>> -> memref<96xi32, #tpu.memory_space<hbm>>
        %dma_wait3A_142 = arith.constant 0 : i32
        %dma_wait3A_143 = tpu.memref_slice %arg3[%dma_wait3A_142] : memref<100000xi32, #tpu.memory_space<hbm>> -> memref<96xi32, #tpu.memory_space<hbm>>
        tpu.wait_dma2 semaphore(%arg17 : memref<!tpu.dma_semaphore, #tpu.memory_space<semaphore_mem>>) src(%dma_wait3A_143 : memref<96xi32, #tpu.memory_space<hbm>>) dst(%arg9 : memref<96xi32, #tpu.memory_space<vmem>>)
        %dma_wait3A_144 = arith.constant 0 : i32
        %dma_wait3A_145 = tpu.memref_slice %arg3[%dma_wait3A_144] : memref<100000xi32, #tpu.memory_space<hbm>> -> memref<104xi32, #tpu.memory_space<hbm>>
        %dma_wait3A_146 = arith.constant 0 : i32
        %dma_wait3A_147 = tpu.memref_slice %arg3[%dma_wait3A_146] : memref<100000xi32, #tpu.memory_space<hbm>> -> memref<104xi32, #tpu.memory_space<hbm>>
        tpu.wait_dma2 semaphore(%arg17 : memref<!tpu.dma_semaphore, #tpu.memory_space<semaphore_mem>>) src(%dma_wait3A_147 : memref<104xi32, #tpu.memory_space<hbm>>) dst(%arg10 : memref<104xi32, #tpu.memory_space<vmem>>)
        %dma_wait3A_148 = arith.constant 0 : i32
        %dma_wait3A_149 = arith.constant 0 : i32
        %dma_wait3A_150 = tpu.memref_slice %arg2[%dma_wait3A_148, %dma_wait3A_149] : memref<100000x128xf32, #tpu.memory_space<hbm>> -> memref<400x128xf32, #tpu.memory_space<hbm>>
        %dma_wait3A_151 = arith.constant 0 : i32
        %dma_wait3A_152 = arith.constant 0 : i32
        %dma_wait3A_153 = tpu.memref_slice %arg2[%dma_wait3A_151, %dma_wait3A_152] : memref<100000x128xf32, #tpu.memory_space<hbm>> -> memref<400x128xf32, #tpu.memory_space<hbm>>
        tpu.wait_dma2 semaphore(%arg17 : memref<!tpu.dma_semaphore, #tpu.memory_space<semaphore_mem>>) src(%dma_wait3A_153 : memref<400x128xf32, #tpu.memory_space<hbm>>) dst(%arg5 : memref<400x128xf32, #tpu.memory_space<vmem>>)
        %dma_start3A_154 = arith.constant 0 : i32
        %dma_start3A_155 = arith.constant 0 : i32
        %dma_start3A_156 = tpu.memref_slice %arg5[%dma_start3A_154, %dma_start3A_155] : memref<400x128xf32, #tpu.memory_space<vmem>> -> memref<96x128xf32, #tpu.memory_space<vmem>>
        %dma_start3A_157 = arith.constant 0 : i32
        %dma_start3A_158 = arith.constant 0 : i32
        %dma_start3A_159 = tpu.memref_slice %arg16[%dma_start3A_157, %dma_start3A_158] : memref<512x128xf32, #tpu.memory_space<vmem_shared>> -> memref<512x128xf32, #tpu.memory_space<vmem_shared>>
        tpu.enqueue_indirect_dma source(%dma_start3A_156 : memref<96x128xf32, #tpu.memory_space<vmem>>) target(%dma_start3A_159 : memref<512x128xf32, #tpu.memory_space<vmem_shared>>) offsets(%arg7 : memref<96xi32, #tpu.memory_space<vmem>>) semaphore(%arg19 : memref<!tpu.dma_semaphore, #tpu.memory_space<semaphore_mem>>) {add = true}
        %dma_start3A_160 = arith.constant 96 : i32
        %dma_start3A_161 = arith.constant 0 : i32
        %dma_start3A_162 = tpu.memref_slice %arg5[%dma_start3A_160, %dma_start3A_161] : memref<400x128xf32, #tpu.memory_space<vmem>> -> memref<104x128xf32, #tpu.memory_space<vmem>>
        %dma_start3A_163 = arith.constant 0 : i32
        %dma_start3A_164 = arith.constant 0 : i32
        %dma_start3A_165 = tpu.memref_slice %arg16[%dma_start3A_163, %dma_start3A_164] : memref<512x128xf32, #tpu.memory_space<vmem_shared>> -> memref<512x128xf32, #tpu.memory_space<vmem_shared>>
        tpu.enqueue_indirect_dma source(%dma_start3A_162 : memref<104x128xf32, #tpu.memory_space<vmem>>) target(%dma_start3A_165 : memref<512x128xf32, #tpu.memory_space<vmem_shared>>) offsets(%arg8 : memref<104xi32, #tpu.memory_space<vmem>>) semaphore(%arg19 : memref<!tpu.dma_semaphore, #tpu.memory_space<semaphore_mem>>) {add = true}
        %dma_start3A_166 = arith.constant 200 : i32
        %dma_start3A_167 = arith.constant 0 : i32
        %dma_start3A_168 = tpu.memref_slice %arg5[%dma_start3A_166, %dma_start3A_167] : memref<400x128xf32, #tpu.memory_space<vmem>> -> memref<96x128xf32, #tpu.memory_space<vmem>>
        %dma_start3A_169 = arith.constant 0 : i32
        %dma_start3A_170 = arith.constant 0 : i32
        %dma_start3A_171 = tpu.memref_slice %arg16[%dma_start3A_169, %dma_start3A_170] : memref<512x128xf32, #tpu.memory_space<vmem_shared>> -> memref<512x128xf32, #tpu.memory_space<vmem_shared>>
        tpu.enqueue_indirect_dma source(%dma_start3A_168 : memref<96x128xf32, #tpu.memory_space<vmem>>) target(%dma_start3A_171 : memref<512x128xf32, #tpu.memory_space<vmem_shared>>) offsets(%arg9 : memref<96xi32, #tpu.memory_space<vmem>>) semaphore(%arg19 : memref<!tpu.dma_semaphore, #tpu.memory_space<semaphore_mem>>) {add = true}
        %dma_start3A_172 = arith.constant 296 : i32
        %dma_start3A_173 = arith.constant 0 : i32
        %dma_start3A_174 = tpu.memref_slice %arg5[%dma_start3A_172, %dma_start3A_173] : memref<400x128xf32, #tpu.memory_space<vmem>> -> memref<104x128xf32, #tpu.memory_space<vmem>>
        %dma_start3A_175 = arith.constant 0 : i32
        %dma_start3A_176 = arith.constant 0 : i32
        %dma_start3A_177 = tpu.memref_slice %arg16[%dma_start3A_175, %dma_start3A_176] : memref<512x128xf32, #tpu.memory_space<vmem_shared>> -> memref<512x128xf32, #tpu.memory_space<vmem_shared>>
        tpu.enqueue_indirect_dma source(%dma_start3A_174 : memref<104x128xf32, #tpu.memory_space<vmem>>) target(%dma_start3A_177 : memref<512x128xf32, #tpu.memory_space<vmem_shared>>) offsets(%arg10 : memref<104xi32, #tpu.memory_space<vmem>>) semaphore(%arg19 : memref<!tpu.dma_semaphore, #tpu.memory_space<semaphore_mem>>) {add = true}
        %dma_wait3A_178 = arith.constant 0 : i32
        %dma_wait3A_179 = arith.constant 0 : i32
        %dma_wait3A_180 = tpu.memref_slice %arg5[%dma_wait3A_178, %dma_wait3A_179] : memref<400x128xf32, #tpu.memory_space<vmem>> -> memref<96x128xf32, #tpu.memory_space<vmem>>
        %dma_wait3A_181 = arith.constant 0 : i32
        %dma_wait3A_182 = arith.constant 0 : i32
        %dma_wait3A_183 = tpu.memref_slice %arg16[%dma_wait3A_181, %dma_wait3A_182] : memref<512x128xf32, #tpu.memory_space<vmem_shared>> -> memref<512x128xf32, #tpu.memory_space<vmem_shared>>
        tpu.wait_indirect_dma semaphore(%arg19 : memref<!tpu.dma_semaphore, #tpu.memory_space<semaphore_mem>>) src(%dma_wait3A_180 : memref<96x128xf32, #tpu.memory_space<vmem>>) dst(%dma_wait3A_183 : memref<512x128xf32, #tpu.memory_space<vmem_shared>>)
        %dma_wait3A_184 = arith.constant 96 : i32
        %dma_wait3A_185 = arith.constant 0 : i32
        %dma_wait3A_186 = tpu.memref_slice %arg5[%dma_wait3A_184, %dma_wait3A_185] : memref<400x128xf32, #tpu.memory_space<vmem>> -> memref<104x128xf32, #tpu.memory_space<vmem>>
        %dma_wait3A_187 = arith.constant 0 : i32
        %dma_wait3A_188 = arith.constant 0 : i32
        %dma_wait3A_189 = tpu.memref_slice %arg16[%dma_wait3A_187, %dma_wait3A_188] : memref<512x128xf32, #tpu.memory_space<vmem_shared>> -> memref<512x128xf32, #tpu.memory_space<vmem_shared>>
        tpu.wait_indirect_dma semaphore(%arg19 : memref<!tpu.dma_semaphore, #tpu.memory_space<semaphore_mem>>) src(%dma_wait3A_186 : memref<104x128xf32, #tpu.memory_space<vmem>>) dst(%dma_wait3A_189 : memref<512x128xf32, #tpu.memory_space<vmem_shared>>)
        %dma_wait3A_190 = arith.constant 200 : i32
        %dma_wait3A_191 = arith.constant 0 : i32
        %dma_wait3A_192 = tpu.memref_slice %arg5[%dma_wait3A_190, %dma_wait3A_191] : memref<400x128xf32, #tpu.memory_space<vmem>> -> memref<96x128xf32, #tpu.memory_space<vmem>>
        %dma_wait3A_193 = arith.constant 0 : i32
        %dma_wait3A_194 = arith.constant 0 : i32
        %dma_wait3A_195 = tpu.memref_slice %arg16[%dma_wait3A_193, %dma_wait3A_194] : memref<512x128xf32, #tpu.memory_space<vmem_shared>> -> memref<512x128xf32, #tpu.memory_space<vmem_shared>>
        tpu.wait_indirect_dma semaphore(%arg19 : memref<!tpu.dma_semaphore, #tpu.memory_space<semaphore_mem>>) src(%dma_wait3A_192 : memref<96x128xf32, #tpu.memory_space<vmem>>) dst(%dma_wait3A_195 : memref<512x128xf32, #tpu.memory_space<vmem_shared>>)
        %dma_wait3A_196 = arith.constant 296 : i32
        %dma_wait3A_197 = arith.constant 0 : i32
        %dma_wait3A_198 = tpu.memref_slice %arg5[%dma_wait3A_196, %dma_wait3A_197] : memref<400x128xf32, #tpu.memory_space<vmem>> -> memref<104x128xf32, #tpu.memory_space<vmem>>
        %dma_wait3A_199 = arith.constant 0 : i32
        %dma_wait3A_200 = arith.constant 0 : i32
        %dma_wait3A_201 = tpu.memref_slice %arg16[%dma_wait3A_199, %dma_wait3A_200] : memref<512x128xf32, #tpu.memory_space<vmem_shared>> -> memref<512x128xf32, #tpu.memory_space<vmem_shared>>
        tpu.wait_indirect_dma semaphore(%arg19 : memref<!tpu.dma_semaphore, #tpu.memory_space<semaphore_mem>>) src(%dma_wait3A_198 : memref<104x128xf32, #tpu.memory_space<vmem>>) dst(%dma_wait3A_201 : memref<512x128xf32, #tpu.memory_space<vmem_shared>>)
        %add3A_202 = arith.constant 2 : i32
        %add3A_203 = arith.addi %mul3A_123, %add3A_202 : i32
        %lt3A_204 = arith.cmpi slt, %add3A_203, %add3A_17 : i32
        %convert_element_type3A_205 = arith.extui %lt3A_204 : i1 to i32
        %cond3A_206 = arith.constant 0 : i32
        %cond3A_207 = arith.cmpi ne, %convert_element_type3A_205, %cond3A_206 : i32
        scf.if %cond3A_207 {
          %add3A_208 = arith.constant 2 : i32
          %add3A_209 = arith.addi %mul3A_123, %add3A_208 : i32
          %add3A_210 = arith.addi %add3A_13, %add3A_209 : i32
          %mul3A_211 = arith.constant 400 : i32
          %mul3A_212 = arith.muli %add3A_210, %mul3A_211 : i32
          %add3A_213 = arith.constant 0 : i32
          %add3A_214 = arith.addi %mul3A_212, %add3A_213 : i32
          %dma_start3A_215 = tpu.memref_slice %arg3[%add3A_214] : memref<100000xi32, #tpu.memory_space<hbm>> -> memref<96xi32, #tpu.memory_space<hbm>>
          %dma_start3A_216 = tpu.memref_slice %arg3[%add3A_214] : memref<100000xi32, #tpu.memory_space<hbm>> -> memref<96xi32, #tpu.memory_space<hbm>>
          tpu.enqueue_dma source(%dma_start3A_216 : memref<96xi32, #tpu.memory_space<hbm>>) target(%arg7 : memref<96xi32, #tpu.memory_space<vmem>>) target_semaphore(%arg17 : memref<!tpu.dma_semaphore, #tpu.memory_space<semaphore_mem>>)
          %mul3A_217 = arith.constant 400 : i32
          %mul3A_218 = arith.muli %add3A_210, %mul3A_217 : i32
          %add3A_219 = arith.constant 96 : i32
          %add3A_220 = arith.addi %mul3A_218, %add3A_219 : i32
          %dma_start3A_221 = tpu.memref_slice %arg3[%add3A_220] : memref<100000xi32, #tpu.memory_space<hbm>> -> memref<104xi32, #tpu.memory_space<hbm>>
          %dma_start3A_222 = tpu.memref_slice %arg3[%add3A_220] : memref<100000xi32, #tpu.memory_space<hbm>> -> memref<104xi32, #tpu.memory_space<hbm>>
          tpu.enqueue_dma source(%dma_start3A_222 : memref<104xi32, #tpu.memory_space<hbm>>) target(%arg8 : memref<104xi32, #tpu.memory_space<vmem>>) target_semaphore(%arg17 : memref<!tpu.dma_semaphore, #tpu.memory_space<semaphore_mem>>)
          %mul3A_223 = arith.constant 400 : i32
          %mul3A_224 = arith.muli %add3A_210, %mul3A_223 : i32
          %add3A_225 = arith.constant 200 : i32
          %add3A_226 = arith.addi %mul3A_224, %add3A_225 : i32
          %dma_start3A_227 = tpu.memref_slice %arg3[%add3A_226] : memref<100000xi32, #tpu.memory_space<hbm>> -> memref<96xi32, #tpu.memory_space<hbm>>
          %dma_start3A_228 = tpu.memref_slice %arg3[%add3A_226] : memref<100000xi32, #tpu.memory_space<hbm>> -> memref<96xi32, #tpu.memory_space<hbm>>
          tpu.enqueue_dma source(%dma_start3A_228 : memref<96xi32, #tpu.memory_space<hbm>>) target(%arg9 : memref<96xi32, #tpu.memory_space<vmem>>) target_semaphore(%arg17 : memref<!tpu.dma_semaphore, #tpu.memory_space<semaphore_mem>>)
          %mul3A_229 = arith.constant 400 : i32
          %mul3A_230 = arith.muli %add3A_210, %mul3A_229 : i32
          %add3A_231 = arith.constant 296 : i32
          %add3A_232 = arith.addi %mul3A_230, %add3A_231 : i32
          %dma_start3A_233 = tpu.memref_slice %arg3[%add3A_232] : memref<100000xi32, #tpu.memory_space<hbm>> -> memref<104xi32, #tpu.memory_space<hbm>>
          %dma_start3A_234 = tpu.memref_slice %arg3[%add3A_232] : memref<100000xi32, #tpu.memory_space<hbm>> -> memref<104xi32, #tpu.memory_space<hbm>>
          tpu.enqueue_dma source(%dma_start3A_234 : memref<104xi32, #tpu.memory_space<hbm>>) target(%arg10 : memref<104xi32, #tpu.memory_space<vmem>>) target_semaphore(%arg17 : memref<!tpu.dma_semaphore, #tpu.memory_space<semaphore_mem>>)
          %mul3A_235 = arith.constant 400 : i32
          %mul3A_236 = arith.muli %add3A_210, %mul3A_235 : i32
          %dma_start3A_237 = arith.constant 0 : i32
          %dma_start3A_238 = tpu.memref_slice %arg2[%mul3A_236, %dma_start3A_237] : memref<100000x128xf32, #tpu.memory_space<hbm>> -> memref<400x128xf32, #tpu.memory_space<hbm>>
          %dma_start3A_239 = arith.constant 0 : i32
          %dma_start3A_240 = tpu.memref_slice %arg2[%mul3A_236, %dma_start3A_239] : memref<100000x128xf32, #tpu.memory_space<hbm>> -> memref<400x128xf32, #tpu.memory_space<hbm>>
          tpu.enqueue_dma source(%dma_start3A_240 : memref<400x128xf32, #tpu.memory_space<hbm>>) target(%arg5 : memref<400x128xf32, #tpu.memory_space<vmem>>) target_semaphore(%arg17 : memref<!tpu.dma_semaphore, #tpu.memory_space<semaphore_mem>>)
        } else {
        }
      } else {
      }
      %add3A_126 = arith.constant 1 : i32
      %add3A_127 = arith.addi %mul3A_123, %add3A_126 : i32
      %lt3A_128 = arith.cmpi slt, %add3A_127, %add3A_17 : i32
      %convert_element_type3A_129 = arith.extui %lt3A_128 : i1 to i32
      %cond3A_130 = arith.constant 0 : i32
      %cond3A_131 = arith.cmpi ne, %convert_element_type3A_129, %cond3A_130 : i32
      scf.if %cond3A_131 {
        %add3A_133 = arith.constant 1 : i32
        %add3A_134 = arith.addi %mul3A_123, %add3A_133 : i32
        %dma_wait3A = arith.constant 0 : i32
        %dma_wait3A_135 = tpu.memref_slice %arg3[%dma_wait3A] : memref<100000xi32, #tpu.memory_space<hbm>> -> memref<96xi32, #tpu.memory_space<hbm>>
        %dma_wait3A_136 = arith.constant 0 : i32
        %dma_wait3A_137 = tpu.memref_slice %arg3[%dma_wait3A_136] : memref<100000xi32, #tpu.memory_space<hbm>> -> memref<96xi32, #tpu.memory_space<hbm>>
        tpu.wait_dma2 semaphore(%arg18 : memref<!tpu.dma_semaphore, #tpu.memory_space<semaphore_mem>>) src(%dma_wait3A_137 : memref<96xi32, #tpu.memory_space<hbm>>) dst(%arg11 : memref<96xi32, #tpu.memory_space<vmem>>)
        %dma_wait3A_138 = arith.constant 0 : i32
        %dma_wait3A_139 = tpu.memref_slice %arg3[%dma_wait3A_138] : memref<100000xi32, #tpu.memory_space<hbm>> -> memref<104xi32, #tpu.memory_space<hbm>>
        %dma_wait3A_140 = arith.constant 0 : i32
        %dma_wait3A_141 = tpu.memref_slice %arg3[%dma_wait3A_140] : memref<100000xi32, #tpu.memory_space<hbm>> -> memref<104xi32, #tpu.memory_space<hbm>>
        tpu.wait_dma2 semaphore(%arg18 : memref<!tpu.dma_semaphore, #tpu.memory_space<semaphore_mem>>) src(%dma_wait3A_141 : memref<104xi32, #tpu.memory_space<hbm>>) dst(%arg12 : memref<104xi32, #tpu.memory_space<vmem>>)
        %dma_wait3A_142 = arith.constant 0 : i32
        %dma_wait3A_143 = tpu.memref_slice %arg3[%dma_wait3A_142] : memref<100000xi32, #tpu.memory_space<hbm>> -> memref<96xi32, #tpu.memory_space<hbm>>
        %dma_wait3A_144 = arith.constant 0 : i32
        %dma_wait3A_145 = tpu.memref_slice %arg3[%dma_wait3A_144] : memref<100000xi32, #tpu.memory_space<hbm>> -> memref<96xi32, #tpu.memory_space<hbm>>
        tpu.wait_dma2 semaphore(%arg18 : memref<!tpu.dma_semaphore, #tpu.memory_space<semaphore_mem>>) src(%dma_wait3A_145 : memref<96xi32, #tpu.memory_space<hbm>>) dst(%arg13 : memref<96xi32, #tpu.memory_space<vmem>>)
        %dma_wait3A_146 = arith.constant 0 : i32
        %dma_wait3A_147 = tpu.memref_slice %arg3[%dma_wait3A_146] : memref<100000xi32, #tpu.memory_space<hbm>> -> memref<104xi32, #tpu.memory_space<hbm>>
        %dma_wait3A_148 = arith.constant 0 : i32
        %dma_wait3A_149 = tpu.memref_slice %arg3[%dma_wait3A_148] : memref<100000xi32, #tpu.memory_space<hbm>> -> memref<104xi32, #tpu.memory_space<hbm>>
        tpu.wait_dma2 semaphore(%arg18 : memref<!tpu.dma_semaphore, #tpu.memory_space<semaphore_mem>>) src(%dma_wait3A_149 : memref<104xi32, #tpu.memory_space<hbm>>) dst(%arg14 : memref<104xi32, #tpu.memory_space<vmem>>)
        %dma_wait3A_150 = arith.constant 0 : i32
        %dma_wait3A_151 = arith.constant 0 : i32
        %dma_wait3A_152 = tpu.memref_slice %arg2[%dma_wait3A_150, %dma_wait3A_151] : memref<100000x128xf32, #tpu.memory_space<hbm>> -> memref<400x128xf32, #tpu.memory_space<hbm>>
        %dma_wait3A_153 = arith.constant 0 : i32
        %dma_wait3A_154 = arith.constant 0 : i32
        %dma_wait3A_155 = tpu.memref_slice %arg2[%dma_wait3A_153, %dma_wait3A_154] : memref<100000x128xf32, #tpu.memory_space<hbm>> -> memref<400x128xf32, #tpu.memory_space<hbm>>
        tpu.wait_dma2 semaphore(%arg18 : memref<!tpu.dma_semaphore, #tpu.memory_space<semaphore_mem>>) src(%dma_wait3A_155 : memref<400x128xf32, #tpu.memory_space<hbm>>) dst(%arg6 : memref<400x128xf32, #tpu.memory_space<vmem>>)
        %dma_start3A_156 = arith.constant 0 : i32
        %dma_start3A_157 = arith.constant 0 : i32
        %dma_start3A_158 = tpu.memref_slice %arg6[%dma_start3A_156, %dma_start3A_157] : memref<400x128xf32, #tpu.memory_space<vmem>> -> memref<96x128xf32, #tpu.memory_space<vmem>>
        %dma_start3A_159 = arith.constant 0 : i32
        %dma_start3A_160 = arith.constant 0 : i32
        %dma_start3A_161 = tpu.memref_slice %arg16[%dma_start3A_159, %dma_start3A_160] : memref<512x128xf32, #tpu.memory_space<vmem_shared>> -> memref<512x128xf32, #tpu.memory_space<vmem_shared>>
        tpu.enqueue_indirect_dma source(%dma_start3A_158 : memref<96x128xf32, #tpu.memory_space<vmem>>) target(%dma_start3A_161 : memref<512x128xf32, #tpu.memory_space<vmem_shared>>) offsets(%arg11 : memref<96xi32, #tpu.memory_space<vmem>>) semaphore(%arg20 : memref<!tpu.dma_semaphore, #tpu.memory_space<semaphore_mem>>) {add = true}
        %dma_start3A_162 = arith.constant 96 : i32
        %dma_start3A_163 = arith.constant 0 : i32
        %dma_start3A_164 = tpu.memref_slice %arg6[%dma_start3A_162, %dma_start3A_163] : memref<400x128xf32, #tpu.memory_space<vmem>> -> memref<104x128xf32, #tpu.memory_space<vmem>>
        %dma_start3A_165 = arith.constant 0 : i32
        %dma_start3A_166 = arith.constant 0 : i32
        %dma_start3A_167 = tpu.memref_slice %arg16[%dma_start3A_165, %dma_start3A_166] : memref<512x128xf32, #tpu.memory_space<vmem_shared>> -> memref<512x128xf32, #tpu.memory_space<vmem_shared>>
        tpu.enqueue_indirect_dma source(%dma_start3A_164 : memref<104x128xf32, #tpu.memory_space<vmem>>) target(%dma_start3A_167 : memref<512x128xf32, #tpu.memory_space<vmem_shared>>) offsets(%arg12 : memref<104xi32, #tpu.memory_space<vmem>>) semaphore(%arg20 : memref<!tpu.dma_semaphore, #tpu.memory_space<semaphore_mem>>) {add = true}
        %dma_start3A_168 = arith.constant 200 : i32
        %dma_start3A_169 = arith.constant 0 : i32
        %dma_start3A_170 = tpu.memref_slice %arg6[%dma_start3A_168, %dma_start3A_169] : memref<400x128xf32, #tpu.memory_space<vmem>> -> memref<96x128xf32, #tpu.memory_space<vmem>>
        %dma_start3A_171 = arith.constant 0 : i32
        %dma_start3A_172 = arith.constant 0 : i32
        %dma_start3A_173 = tpu.memref_slice %arg16[%dma_start3A_171, %dma_start3A_172] : memref<512x128xf32, #tpu.memory_space<vmem_shared>> -> memref<512x128xf32, #tpu.memory_space<vmem_shared>>
        tpu.enqueue_indirect_dma source(%dma_start3A_170 : memref<96x128xf32, #tpu.memory_space<vmem>>) target(%dma_start3A_173 : memref<512x128xf32, #tpu.memory_space<vmem_shared>>) offsets(%arg13 : memref<96xi32, #tpu.memory_space<vmem>>) semaphore(%arg20 : memref<!tpu.dma_semaphore, #tpu.memory_space<semaphore_mem>>) {add = true}
        %dma_start3A_174 = arith.constant 296 : i32
        %dma_start3A_175 = arith.constant 0 : i32
        %dma_start3A_176 = tpu.memref_slice %arg6[%dma_start3A_174, %dma_start3A_175] : memref<400x128xf32, #tpu.memory_space<vmem>> -> memref<104x128xf32, #tpu.memory_space<vmem>>
        %dma_start3A_177 = arith.constant 0 : i32
        %dma_start3A_178 = arith.constant 0 : i32
        %dma_start3A_179 = tpu.memref_slice %arg16[%dma_start3A_177, %dma_start3A_178] : memref<512x128xf32, #tpu.memory_space<vmem_shared>> -> memref<512x128xf32, #tpu.memory_space<vmem_shared>>
        tpu.enqueue_indirect_dma source(%dma_start3A_176 : memref<104x128xf32, #tpu.memory_space<vmem>>) target(%dma_start3A_179 : memref<512x128xf32, #tpu.memory_space<vmem_shared>>) offsets(%arg14 : memref<104xi32, #tpu.memory_space<vmem>>) semaphore(%arg20 : memref<!tpu.dma_semaphore, #tpu.memory_space<semaphore_mem>>) {add = true}
        %dma_wait3A_180 = arith.constant 0 : i32
        %dma_wait3A_181 = arith.constant 0 : i32
        %dma_wait3A_182 = tpu.memref_slice %arg6[%dma_wait3A_180, %dma_wait3A_181] : memref<400x128xf32, #tpu.memory_space<vmem>> -> memref<96x128xf32, #tpu.memory_space<vmem>>
        %dma_wait3A_183 = arith.constant 0 : i32
        %dma_wait3A_184 = arith.constant 0 : i32
        %dma_wait3A_185 = tpu.memref_slice %arg16[%dma_wait3A_183, %dma_wait3A_184] : memref<512x128xf32, #tpu.memory_space<vmem_shared>> -> memref<512x128xf32, #tpu.memory_space<vmem_shared>>
        tpu.wait_indirect_dma semaphore(%arg20 : memref<!tpu.dma_semaphore, #tpu.memory_space<semaphore_mem>>) src(%dma_wait3A_182 : memref<96x128xf32, #tpu.memory_space<vmem>>) dst(%dma_wait3A_185 : memref<512x128xf32, #tpu.memory_space<vmem_shared>>)
        %dma_wait3A_186 = arith.constant 96 : i32
        %dma_wait3A_187 = arith.constant 0 : i32
        %dma_wait3A_188 = tpu.memref_slice %arg6[%dma_wait3A_186, %dma_wait3A_187] : memref<400x128xf32, #tpu.memory_space<vmem>> -> memref<104x128xf32, #tpu.memory_space<vmem>>
        %dma_wait3A_189 = arith.constant 0 : i32
        %dma_wait3A_190 = arith.constant 0 : i32
        %dma_wait3A_191 = tpu.memref_slice %arg16[%dma_wait3A_189, %dma_wait3A_190] : memref<512x128xf32, #tpu.memory_space<vmem_shared>> -> memref<512x128xf32, #tpu.memory_space<vmem_shared>>
        tpu.wait_indirect_dma semaphore(%arg20 : memref<!tpu.dma_semaphore, #tpu.memory_space<semaphore_mem>>) src(%dma_wait3A_188 : memref<104x128xf32, #tpu.memory_space<vmem>>) dst(%dma_wait3A_191 : memref<512x128xf32, #tpu.memory_space<vmem_shared>>)
        %dma_wait3A_192 = arith.constant 200 : i32
        %dma_wait3A_193 = arith.constant 0 : i32
        %dma_wait3A_194 = tpu.memref_slice %arg6[%dma_wait3A_192, %dma_wait3A_193] : memref<400x128xf32, #tpu.memory_space<vmem>> -> memref<96x128xf32, #tpu.memory_space<vmem>>
        %dma_wait3A_195 = arith.constant 0 : i32
        %dma_wait3A_196 = arith.constant 0 : i32
        %dma_wait3A_197 = tpu.memref_slice %arg16[%dma_wait3A_195, %dma_wait3A_196] : memref<512x128xf32, #tpu.memory_space<vmem_shared>> -> memref<512x128xf32, #tpu.memory_space<vmem_shared>>
        tpu.wait_indirect_dma semaphore(%arg20 : memref<!tpu.dma_semaphore, #tpu.memory_space<semaphore_mem>>) src(%dma_wait3A_194 : memref<96x128xf32, #tpu.memory_space<vmem>>) dst(%dma_wait3A_197 : memref<512x128xf32, #tpu.memory_space<vmem_shared>>)
        %dma_wait3A_198 = arith.constant 296 : i32
        %dma_wait3A_199 = arith.constant 0 : i32
        %dma_wait3A_200 = tpu.memref_slice %arg6[%dma_wait3A_198, %dma_wait3A_199] : memref<400x128xf32, #tpu.memory_space<vmem>> -> memref<104x128xf32, #tpu.memory_space<vmem>>
        %dma_wait3A_201 = arith.constant 0 : i32
        %dma_wait3A_202 = arith.constant 0 : i32
        %dma_wait3A_203 = tpu.memref_slice %arg16[%dma_wait3A_201, %dma_wait3A_202] : memref<512x128xf32, #tpu.memory_space<vmem_shared>> -> memref<512x128xf32, #tpu.memory_space<vmem_shared>>
        tpu.wait_indirect_dma semaphore(%arg20 : memref<!tpu.dma_semaphore, #tpu.memory_space<semaphore_mem>>) src(%dma_wait3A_200 : memref<104x128xf32, #tpu.memory_space<vmem>>) dst(%dma_wait3A_203 : memref<512x128xf32, #tpu.memory_space<vmem_shared>>)
        %add3A_204 = arith.constant 2 : i32
        %add3A_205 = arith.addi %add3A_134, %add3A_204 : i32
        %lt3A_206 = arith.cmpi slt, %add3A_205, %add3A_17 : i32
        %convert_element_type3A_207 = arith.extui %lt3A_206 : i1 to i32
        %cond3A_208 = arith.constant 0 : i32
        %cond3A_209 = arith.cmpi ne, %convert_element_type3A_207, %cond3A_208 : i32
        scf.if %cond3A_209 {
          %add3A_210 = arith.constant 2 : i32
          %add3A_211 = arith.addi %add3A_134, %add3A_210 : i32
          %add3A_212 = arith.addi %add3A_13, %add3A_211 : i32
          %mul3A_213 = arith.constant 400 : i32
          %mul3A_214 = arith.muli %add3A_212, %mul3A_213 : i32
          %add3A_215 = arith.constant 0 : i32
          %add3A_216 = arith.addi %mul3A_214, %add3A_215 : i32
          %dma_start3A_217 = tpu.memref_slice %arg3[%add3A_216] : memref<100000xi32, #tpu.memory_space<hbm>> -> memref<96xi32, #tpu.memory_space<hbm>>
          %dma_start3A_218 = tpu.memref_slice %arg3[%add3A_216] : memref<100000xi32, #tpu.memory_space<hbm>> -> memref<96xi32, #tpu.memory_space<hbm>>
          tpu.enqueue_dma source(%dma_start3A_218 : memref<96xi32, #tpu.memory_space<hbm>>) target(%arg11 : memref<96xi32, #tpu.memory_space<vmem>>) target_semaphore(%arg18 : memref<!tpu.dma_semaphore, #tpu.memory_space<semaphore_mem>>)
          %mul3A_219 = arith.constant 400 : i32
          %mul3A_220 = arith.muli %add3A_212, %mul3A_219 : i32
          %add3A_221 = arith.constant 96 : i32
          %add3A_222 = arith.addi %mul3A_220, %add3A_221 : i32
          %dma_start3A_223 = tpu.memref_slice %arg3[%add3A_222] : memref<100000xi32, #tpu.memory_space<hbm>> -> memref<104xi32, #tpu.memory_space<hbm>>
          %dma_start3A_224 = tpu.memref_slice %arg3[%add3A_222] : memref<100000xi32, #tpu.memory_space<hbm>> -> memref<104xi32, #tpu.memory_space<hbm>>
          tpu.enqueue_dma source(%dma_start3A_224 : memref<104xi32, #tpu.memory_space<hbm>>) target(%arg12 : memref<104xi32, #tpu.memory_space<vmem>>) target_semaphore(%arg18 : memref<!tpu.dma_semaphore, #tpu.memory_space<semaphore_mem>>)
          %mul3A_225 = arith.constant 400 : i32
          %mul3A_226 = arith.muli %add3A_212, %mul3A_225 : i32
          %add3A_227 = arith.constant 200 : i32
          %add3A_228 = arith.addi %mul3A_226, %add3A_227 : i32
          %dma_start3A_229 = tpu.memref_slice %arg3[%add3A_228] : memref<100000xi32, #tpu.memory_space<hbm>> -> memref<96xi32, #tpu.memory_space<hbm>>
          %dma_start3A_230 = tpu.memref_slice %arg3[%add3A_228] : memref<100000xi32, #tpu.memory_space<hbm>> -> memref<96xi32, #tpu.memory_space<hbm>>
          tpu.enqueue_dma source(%dma_start3A_230 : memref<96xi32, #tpu.memory_space<hbm>>) target(%arg13 : memref<96xi32, #tpu.memory_space<vmem>>) target_semaphore(%arg18 : memref<!tpu.dma_semaphore, #tpu.memory_space<semaphore_mem>>)
          %mul3A_231 = arith.constant 400 : i32
          %mul3A_232 = arith.muli %add3A_212, %mul3A_231 : i32
          %add3A_233 = arith.constant 296 : i32
          %add3A_234 = arith.addi %mul3A_232, %add3A_233 : i32
          %dma_start3A_235 = tpu.memref_slice %arg3[%add3A_234] : memref<100000xi32, #tpu.memory_space<hbm>> -> memref<104xi32, #tpu.memory_space<hbm>>
          %dma_start3A_236 = tpu.memref_slice %arg3[%add3A_234] : memref<100000xi32, #tpu.memory_space<hbm>> -> memref<104xi32, #tpu.memory_space<hbm>>
          tpu.enqueue_dma source(%dma_start3A_236 : memref<104xi32, #tpu.memory_space<hbm>>) target(%arg14 : memref<104xi32, #tpu.memory_space<vmem>>) target_semaphore(%arg18 : memref<!tpu.dma_semaphore, #tpu.memory_space<semaphore_mem>>)
          %mul3A_237 = arith.constant 400 : i32
          %mul3A_238 = arith.muli %add3A_212, %mul3A_237 : i32
          %dma_start3A_239 = arith.constant 0 : i32
          %dma_start3A_240 = tpu.memref_slice %arg2[%mul3A_238, %dma_start3A_239] : memref<100000x128xf32, #tpu.memory_space<hbm>> -> memref<400x128xf32, #tpu.memory_space<hbm>>
          %dma_start3A_241 = arith.constant 0 : i32
          %dma_start3A_242 = tpu.memref_slice %arg2[%mul3A_238, %dma_start3A_241] : memref<100000x128xf32, #tpu.memory_space<hbm>> -> memref<400x128xf32, #tpu.memory_space<hbm>>
          tpu.enqueue_dma source(%dma_start3A_242 : memref<400x128xf32, #tpu.memory_space<hbm>>) target(%arg6 : memref<400x128xf32, #tpu.memory_space<vmem>>) target_semaphore(%arg18 : memref<!tpu.dma_semaphore, #tpu.memory_space<semaphore_mem>>)
        } else {
        }
      } else {
      }
      %while3A_132 = arith.constant 0 : i32
      scf.yield %while3A_132 : i32
    }
    %barrier3A_112 = arith.constant 0 : index
    tpu.barrier barrier_id(%barrier3A_112)
    %mul3A_113 = arith.constant 512 : i32
    %mul3A_114 = arith.muli %arg0, %mul3A_113 : i32
    %mul3A_115 = arith.constant 32 : i32
    %mul3A_116 = arith.muli %arg1, %mul3A_115 : i32
    %add3A_117 = arith.addi %mul3A_114, %mul3A_116 : i32
    %mul3A_118 = arith.constant 32 : i32
    %mul3A_119 = arith.muli %arg1, %mul3A_118 : i32
    "tpu.region"() ({
      %run_scoped3A = tpu.sem_alloc : memref<!tpu.dma_semaphore, #tpu.memory_space<semaphore_mem>>
      %dma_start3A_120 = arith.constant 0 : i32
      %dma_start3A_121 = tpu.memref_slice %arg4[%add3A_117, %dma_start3A_120] : memref<1024x128xf32, #tpu.memory_space<hbm>> -> memref<32x128xf32, #tpu.memory_space<hbm>>
      %dma_start3A_122 = arith.constant 0 : i32
      %dma_start3A_123 = tpu.memref_slice %arg16[%mul3A_119, %dma_start3A_122] : memref<512x128xf32, #tpu.memory_space<vmem_shared>> -> memref<32x128xf32, #tpu.memory_space<vmem_shared>>
      tpu.enqueue_dma source(%dma_start3A_123 : memref<32x128xf32, #tpu.memory_space<vmem_shared>>) target(%dma_start3A_121 : memref<32x128xf32, #tpu.memory_space<hbm>>) target_semaphore(%run_scoped3A : memref<!tpu.dma_semaphore, #tpu.memory_space<semaphore_mem>>)
      %dma_wait3A = arith.constant 0 : i32
      %dma_wait3A_124 = tpu.memref_slice %arg4[%add3A_117, %dma_wait3A] : memref<1024x128xf32, #tpu.memory_space<hbm>> -> memref<32x128xf32, #tpu.memory_space<hbm>>
      %dma_wait3A_125 = arith.constant 0 : i32
      %dma_wait3A_126 = tpu.memref_slice %arg16[%mul3A_119, %dma_wait3A_125] : memref<512x128xf32, #tpu.memory_space<vmem_shared>> -> memref<32x128xf32, #tpu.memory_space<vmem_shared>>
      tpu.wait_dma2 semaphore(%run_scoped3A : memref<!tpu.dma_semaphore, #tpu.memory_space<semaphore_mem>>) src(%dma_wait3A_126 : memref<32x128xf32, #tpu.memory_space<vmem_shared>>) dst(%dma_wait3A_124 : memref<32x128xf32, #tpu.memory_space<hbm>>)
      tpu.yield
    }) : () -> ()
    return
  }
}

</mosaic_0001>

<sc_bundles>
// kernel: _segment_accumulate.3.cloned.1.call-start
scs
__scs_entry_jumppad:
0x0: {  	(pc) =	sbr.rel $0x88, $3  }
0x1: {  	(tag) =	ssettag $0x0;
	lr =	simm.s32 $0x1  }
0x2: {  	[smem:$0x3F9F] =	sst lr;
	_ =	strace $0xD0000000  }
0x3: {  	_ = 	snop  }
0x4: {  	_ = 	snop  }
0x5: {  	_ = 	snop  }
0x6: {  	_ = 	snop  }
0x7: {  	_ = 	snop  }
__scs_overlays_trampoline_lowered:
0x8: {  	[smem:$0x3FAE] =	sst s0  }
0x9: {  	[smem:$0x3FAF] =	sst s1  }
0xa: {  	[smem:$0x3FB0] =	sst s2  }
0xb: {  	[smem:$0x3FB1] =	sst s3  }
0xc: {  	[smem:$0x3FB2] =	sst s4  }
0xd: {  	[smem:$0x3FB3] =	sst s5  }
0xe: {  	[smem:$0x3FB4] =	sst s6  }
0xf: {  	[smem:$0x3FB5] =	sst s7  }
0x10: {  	[smem:$0x3FB6] =	sst s8  }
0x11: {  	[smem:$0x3FB7] =	sst s9;
	s0 =	simm.s32 @!p0 $0x0  }
0x12: {  	s1 =	sld [smem:$0x3F9D];
	s0 =	simm.s32 @p0 $0x1  }
0x13: {  	[smem:$0x3FB8] =	sst s0;
	s0 =	simm.s32 @!p1 $0x0  }
0x14: {  	s2 =	sld [smem:$0x3F9C];
	s0 =	simm.s32 @p1 $0x1  }
0x15: {  	[smem:$0x3FB9] =	sst s0;
	s0 =	simm.s32 @!p2 $0x0  }
0x16: {  	s3 =	sld [smem:$0x3FDB];
	s0 =	simm.s32 @p2 $0x1  }
0x17: {  	s4 =	simm.s32 $0x1BF5;
	[smem:$0x3FBB] =	sst s0  }
0x18: {  	s0 =	sld [smem:$0x3F9E];
	_ =	swait.ge [sflag:s4], $0x0  }
0x19: {  	s7 =	sld [smem:$0x3F9F]  }
0x1a: {  	s8 =	sadd.s32 $0xFFFFE003, lr  }
0x1b: {  	s9 =	sadd.s32 $0xFFFFFEF7, lr;
	s5 =	simm.s32 $0xFFFFFFFF;
	p2 =	slt.u32 s8, $0xFFFFF086  }
0x1c: {  	p1 =	slt.u32 s9, $0xF7A;
	s5 =	simm.s32 @!p2 $0x0  }
0x1d: {  	s5 =	simm.s32 @p1 $0x1;
	p0 =	seq.s32 s7, s2  }
0x1e: {  	s7 =	smul.u32 @!p0 $0xF7A, s2;
	p2 =	seq.s32 @!p0 s5, $0x0  }
0x1f: {  	s9 =	smul.u32 $0xF7A, s1;
	s8 =	simm.s32 @!p0 $0x1BF5;
	p2 =	por !p2, p0  }
0x20: {  	[sflag:s8] =	ssyncset.s32 @!p0 $0xFFFFF086;
	s6 =	sadd.s32 @!p0 s3, s7;
	s7 =	simm.s32 @!p0 $0x108  }
0x21: {  	s3 =	sadd.s32 s3, s9;
	s6 =	sadd.s32 @!p0 $0x88, s6;
	s7 =	simm.s32 @p2 $0x1082  }
0x22: {  	[simem:s7], [sflag:s8] =	dma.local @!p0 [hbm:s6], $0xF7A  }
0x23: {  	s9 =	sor.u32 $0xD0000000, s2;
	s6 =	simm.s32 $0x108;
	_ =	swait.ge @!p0 [sflag:s8], $0x0  }
0x24: {  	s3 =	sadd.s32 $0x88, s3;
	s6 =	simm.s32 @!p1 $0x1082;
	[sflag:s4] =	ssyncset.s32 $0xFFFFF086  }
0x25: {  	[simem:s6], [sflag:s4] =	dma.local [hbm:s3], $0xF7A  }
0x26: {  	[smem:$0x3F9F] =	sst s1;
	(tag) =	ssettag s2;
	_ =	strace s9  }
0x27: {  	s1 =	sld [smem:$0x3FAF]  }
0x28: {  	s2 =	sld [smem:$0x3FB0]  }
0x29: {  	s4 =	sld [smem:$0x3FB2]  }
0x2a: {  	p0 =	seq.s32 s5, $0x0;
	s5 =	sld [smem:$0x3FB3]  }
0x2b: {  	s6 =	sld [smem:$0x3FB4]  }
0x2c: {  	s7 =	sld [smem:$0x3FB5]  }
0x2d: {  	s3 =	simm.s32 $0x108;
	s8 =	sld [smem:$0x3FB6]  }
0x2e: {  	s3 =	simm.s32 @!p0 $0x1082;
	s9 =	sld [smem:$0x3FB7]  }
0x2f: {  	lr =	sadd.s32 s0, s3;
	s0 =	sld [smem:$0x3FAE]  }
0x30: {  	s3 =	sld [smem:$0x3FB1]  }
0x31: {  	[smem:$0x3FBA] =	sst s10  }
0x32: {  	s10 =	sld [smem:$0x3FB8];
	_ =	sdelay $0x3  }
0x33: {  	p0 =	seq.s32 s10, $0x1;
	s10 =	sld [smem:$0x3FBA];
	_ =	sdelay $0x3  }
0x34: {  	[smem:$0x3FBA] =	sst s10  }
0x35: {  	s10 =	sld [smem:$0x3FB9];
	_ =	sdelay $0x3  }
0x36: {  	p1 =	seq.s32 s10, $0x1;
	s10 =	sld [smem:$0x3FBA];
	_ =	sdelay $0x3  }
0x37: {  	[smem:$0x3FBA] =	sst s10  }
0x38: {  	s10 =	sld [smem:$0x3FBB]  }
0x39: {  	_ = 	snop;
	(pc) =	sbr.ind lr, $3  }
0x3a: {  	_ = 	snop  }
0x3b: {  	_ = 	snop  }
0x3c: {  	p2 =	seq.s32 s10, $0x1;
	s10 =	sld [smem:$0x3FBA]  }
0x3d: {  	_ =	shalt  }
0x3e: {  	_ =	shalt  }
0x3f: {  	_ =	shalt  }
0x40: {  	_ =	shalt  }
0x41: {  	_ =	shalt  }
0x42: {  	_ =	shalt  }
0x43: {  	_ =	shalt  }
0x44: {  	_ =	shalt  }
0x45: {  	_ =	shalt  }
0x46: {  	_ =	shalt  }
0x47: {  	_ =	shalt  }
0x48: {  	_ =	shalt  }
0x49: {  	_ =	shalt  }
0x4a: {  	_ =	shalt  }
0x4b: {  	_ =	shalt  }
0x4c: {  	_ =	shalt  }
0x4d: {  	_ =	shalt  }
0x4e: {  	_ =	shalt  }
0x4f: {  	_ =	shalt  }
0x50: {  	_ =	shalt  }
0x51: {  	_ =	shalt  }
0x52: {  	_ =	shalt  }
0x53: {  	_ =	shalt  }
0x54: {  	_ =	shalt  }
0x55: {  	_ =	shalt  }
0x56: {  	_ =	shalt  }
0x57: {  	_ =	shalt  }
0x58: {  	_ =	shalt  }
0x59: {  	_ =	shalt  }
0x5a: {  	_ =	shalt  }
0x5b: {  	_ =	shalt  }
0x5c: {  	_ =	shalt  }
0x5d: {  	_ =	shalt  }
0x5e: {  	_ =	shalt  }
0x5f: {  	_ =	shalt  }
0x60: {  	_ =	shalt  }
0x61: {  	_ =	shalt  }
0x62: {  	_ =	shalt  }
0x63: {  	_ =	shalt  }
0x64: {  	_ =	shalt  }
0x65: {  	_ =	shalt  }
0x66: {  	_ =	shalt  }
0x67: {  	_ =	shalt  }
0x68: {  	_ =	shalt  }
0x69: {  	_ =	shalt  }
0x6a: {  	_ =	shalt  }
0x6b: {  	_ =	shalt  }
0x6c: {  	_ =	shalt  }
0x6d: {  	_ =	shalt  }
0x6e: {  	_ =	shalt  }
0x6f: {  	_ =	shalt  }
0x70: {  	_ =	shalt  }
0x71: {  	_ =	shalt  }
0x72: {  	_ =	shalt  }
0x73: {  	_ =	shalt  }
0x74: {  	_ =	shalt  }
0x75: {  	_ =	shalt  }
0x76: {  	_ =	shalt  }
0x77: {  	_ =	shalt  }
0x78: {  	_ =	shalt  }
0x79: {  	_ =	shalt  }
0x7a: {  	_ =	shalt  }
0x7b: {  	_ =	shalt  }
0x7c: {  	_ =	shalt  }
0x7d: {  	_ =	shalt  }
0x7e: {  	_ =	shalt  }
0x7f: {  	_ =	shalt  }
0x80: {  	_ =	shalt  }
0x81: {  	_ =	shalt  }
0x82: {  	_ =	shalt  }
0x83: {  	_ =	shalt  }
0x84: {  	_ =	shalt  }
0x85: {  	_ =	shalt  }
0x86: {  	_ =	shalt  }
0x87: {  	_ =	shalt  }
.Lfunc_end0:
.L_simem_size_0:
called_computation_lowered:
.L_overlay_start_0:
0x88: {  	s2 =	sld [smem:$0x3FD9]  }
0x89: {  	s3 =	sld [smem:$0x3FFE];
	_ =	sdelay $0x1  }
0x8a: {  	s1 =	srdreg.scid  }
0x8b: {  	s0 =	sand.u32 $0x1, s1  }
0x8c: {  	s18 =	sshll.u32 s0, $0xA;
	s2 =	sadd.s32 s3, s2  }
0x8d: {  	s2 =	sadd.s32 s2, s18  }
0x8e: {  	[smem:$0x3FC6] =	sst s2  }
0x8f: {  	_ = 	snop  }
0x90: {  	s2 =	sld [smem:$0x3FC9]  }
0x91: {  	s19 =	sld [smem:$0x3FC8]  }
0x92: {  	s4 =	sld [smem:$0x3FD0];
	(tm) =	ssettm $0x1  }
0x93: {  	s5 =	sld [smem:$0x3FFB];
	_ =	sdelay $0x3  }
0x94: {  	_ =	strace s5  }
0x95: {  	s5 =	sld [smem:$0x3FFC];
	_ =	sdelay $0x3  }
0x96: {  	_ =	strace s5  }
0x97: {  	s5 =	sld [smem:$0x3FFD];
	_ =	sdelay $0x3  }
0x98: {  	_ =	strace s5  }
0x99: {  	_ =	strace $0x8FFFFFFF  }
0x9a: {  	s20 =	sld [smem:$0x3FDB];
	_ =	sdelay $0x1  }
0x9b: {  	s6 =	simm.s32 $_scs_section_size  }
0x9c: {  	s7 =	simm.s32 $_size__tile_overlayer_lowered;
	s8 =	simm.s32 $_tile_overlayer_lowered  }
0x9d: {  	s23 =	simm.s32 $0x1BFF;
	s22 =	sshll.u32 s8, $0x1;
	s5 =	sadd.s32 s6, s20  }
0x9e: {  	s9 =	simm.s32 $0x0;
	s21 =	sshll.u32 s7, $0x1;
	s7 =	sadd.s32 s22, s5  }
0x9f: {  	[timem:s9], [sflag:s23] =	dma.local [hbm:s7], s21  }
0xa0: {  	_ =	swait.ge [sflag:s23], s21  }
0xa1: {  	s6 =	ssub.s32 $0x0, s21;
	[sflag:s23] =	ssyncset.done $0x0  }
0xa2: {  	[sflag:s23] =	ssyncadd.s32 s6;
	_ =	sdelay $0x1  }
0xa3: {  	s24 =	simm.s32 $0x1B8B  }
0xa4: {  	_ =	swait.ge [sflag:s24], $0x1  }
0xa5: {  	[sflag:s24] =	ssyncset.done $0x0  }
0xa6: {  	s25 =	simm.s32 $0x1B8E;
	[sflag:s24] =	ssyncadd.s32 $0xFFFFFFFF  }
0xa7: {  	s26 =	simm.s32 $execute0_lowered;
	[smem:$0x3FD2] =	sst s25  }
0xa8: {  	s6 =	sshll.u32 s26, $0x1;
	_ =	strace $0x80000046;
	[dreg:$0x1] =	wrdreg $0xFFFFFFFF  }
0xa9: {  	s28 =	simm.s32 $_size_execute0_lowered;
	s5 =	sadd.s32 s5, s6;
	[dreg:$0x0] =	wrdreg $0x0  }
0xaa: {  	s6 =	sshll.u32 s28, $0x1;
	[dreg:$0x2] =	wrdreg s5  }
0xab: {  	[dreg:$0x3] =	wrdreg s6  }
0xac: {  	[dreg:$0x4] =	wrdreg $0xC0  }
0xad: {  	_ =	task [dreg:s9], $0x5FFFF  }
0xae: {  	[dreg:$0x1] =	wrdreg $0xFFFFFFFF  }
0xaf: {  	[dreg:$0x0] =	wrdreg $0x60  }
0xb0: {  	[dreg:$0x2] =	wrdreg s2  }
0xb1: {  	[dreg:$0x3] =	wrdreg s19  }
0xb2: {  	[dreg:$0x4] =	wrdreg s4  }
0xb3: {  	[dreg:$0x5] =	wrdreg $0x1A4000  }
0xb4: {  	[dreg:$0x6] =	wrdreg $0x9  }
0xb5: {  	_ =	task.clear_ibuf [dreg:s9], $0x7FFFF;
	_ =	strace $0x90000046  }
0xb6: {  	s29 =	simm.s32 $0x9;
	_ =	strace $0x80000048  }
0xb7: {  	_ =	swait.ge [sflag:s29], $0x1  }
0xb8: {  	[sflag:s29] =	ssyncadd.s32 $0xFFFFFFFF  }
0xb9: {  	_ =	strace $0x90000048  }
0xba: {  	_ =	sfence  }
0xbb: {  	s30 =	sld [smem:$0x0];
	_ =	sdelay $0x2  }
0xbc: {  	s31 =	sshll.u32 s1, $0xD;
	s1 =	sshrl.u32 s1, $0x2  }
0xbd: {  	s3 =	sand.u32 $0x4000, s31;
	s1 =	sadd.s32 s1, s30  }
0xbe: {  	s0 =	sor.u32 s3, s0;
	s1 =	sshll.u32 s1, $0x11  }
0xbf: {  	s0 =	sor.u32 s1, s0  }
0xc0: {  	s0 =	sadd.s32 $0x8F2B, s0  }
0xc1: {  	[sflag:s0] =	ssyncadd.remote.s32 $0x1  }
0xc2: {  	_ =	sfence.sel $0xFFFF  }
0xc3: {  	[dreg:$0x0] =	wrdreg $0xFFFFFFFF;
	(pc) =	sbr.abs _section_cstart, $3  }
0xc4: {  	[dreg:$0x1] =	wrdreg $0xFFFFFFFF  }
0xc5: {  	_ =	task.clear_ibuf [dreg:s9], $0x2FFFF;
	_ =	strace $0x9FFFFFFF  }
0xc6: {  	(tm) =	ssettm $0x7FFFFFFF  }
0xc7: {  	_ =	shalt  }
tec
execute0_lowered:
.L_overlay_start_1:
0x0: {  	(tag) =	ssettag $0x1  }
0x1: {  	s16 =	rddreg [dreg:$0x0]  }
0x2: {  	s0 =	srdreg.scid;
	s1 =	rddreg [dreg:$0x1]  }
0x3: {  	s7 =	stileid.u32;
	s14 =	rddreg [dreg:$0x2];
	s3 =	simm.s32 $0x0  }
0x4: {  	s0 =	sand.u32 $0x1, s0;
	[smem:$0x7FF] =	sst s3;
	s23 =	sshll.u32 s7, $0xC  }
0x5: {  	s19 =	sshll.u32 s7, $0x9;
	s30 =	smul.u32 $0xAF00, s7;
	s2 =	sshll.u32 s0, $0x4  }
0x6: {  	s6 =	ssub.s32 $0x2, s0;
	s14 =	sadd.s32 s14, s19;
	s5 =	sor.u32 s7, s2  }
0x7: {  	s2 =	rddreg [dreg:$0x3];
	s22 =	sshrl.u32 s6, $0x1;
	_ =	strace $0x80000047  }
0x8: {  	s4 =	smul.u32 $0x7, s5;
	s18 =	smin.u32 s5, $0x1A;
	s17 =	ssub.s32 s6, s22  }
0x9: {  	p0 =	slt.u32 s5, $0x1A;
	s5 =	simm.s32 $0x8;
	s22 =	smul.u32 $0xAF000, s0  }
0xa: {  	s5 =	simm.s32 @!p0 $0x7;
	s31 =	smul.u32 $0x1900, s18;
	s8 =	sadd.s32 s18, s4  }
0xb: {  	s17 =	smax.u32 s17, $0x1;
	s4 =	sadd.s32 s23, s2;
	s15 =	smul.u32 $0x190, s8  }
0xc: {  	s21 =	sadd.s32 $0xFFFFFFFF, s5;
	s23 =	sshll.u32 s0, $0xD;
	s11 =	smul.u32 $0x1900, s8  }
0xd: {  	[dreg:$0x8] =	wrdreg s21;
	s14 =	sadd.s32 s23, s14;
	s8 =	smul.u32 $0x15E0, s0  }
0xe: {  	s0 =	smul.u32 $0xAF00, s0;
	s24 =	sshrl.u32 s15, $0x3;
	s25 =	sadd.s32 $0xC8, s15  }
0xf: {  	s10 =	sadd.s32 $0x128, s15;
	s20 =	sadd.s32 $0x190, s15;
	s13 =	sadd.s32 $0x258, s15  }
0x10: {  	s15 =	sadd.s32 $0x2B8, s15;
	s6 =	sadd.s32 s1, s24;
	s28 =	sshrl.u32 s10, $0x3  }
0x11: {  	s10 =	sadd.s32 s16, s11;
	s29 =	sshrl.u32 s20, $0x3;
	s13 =	sshrl.u32 s13, $0x3  }
0x12: {  	s24 =	sshrl.u32 s15, $0x3;
	s11 =	sadd.s32 s1, s29;
	s29 =	smul.u32 $0x190, s18  }
0x13: {  	s9 =	sadd.s32 $0xC, s6;
	s12 =	sadd.s32 $0x3E, s6;
	s18 =	smul.u32 $0x32, s18  }
0x14: {  	[dreg:$0xc] =	wrdreg s9;
	s9 =	sshrl.u32 s25, $0x3;
	s25 =	sshll.u32 s20, $0x4  }
0x15: {  	s26 =	sadd.s32 s1, s9;
	s9 =	sadd.s32 s1, s28;
	s15 =	sadd.s32 s16, s25  }
0x16: {  	s28 =	smul.u32 $0xAF0, s7;
	[dreg:$0xd] =	wrdreg s26;
	s26 =	sadd.s32 s22, s16  }
0x17: {  	s16 =	sadd.s32 s1, s24;
	s20 =	sadd.s32 s30, s26;
	s30 =	smul.u32 $0x15E, s7  }
0x18: {  	s0 =	sadd.s32 s28, s0;
	s19 =	sadd.s32 s31, s20;
	s31 =	sadd.s32 s8, s1  }
0x19: {  	s0 =	sadd.s32 s29, s0;
	s24 =	sadd.s32 $0x4B00, s19;
	s19 =	sadd.s32 s30, s31  }
0x1a: {  	s7 =	sadd.s32 $0x5D8, s0;
	s21 =	sadd.s32 $0x578, s0;
	s8 =	sadd.s32 $0x510, s0  }
0x1b: {  	s28 =	sadd.s32 $0x448, s0;
	s30 =	sadd.s32 $0x3E8, s0;
	s20 =	sshrl.u32 s7, $0x3  }
0x1c: {  	s0 =	sadd.s32 $0x380, s0;
	s21 =	sshrl.u32 s21, $0x3;
	s20 =	sadd.s32 s20, s1  }
0x1d: {  	s25 =	sshrl.u32 s8, $0x3;
	s23 =	sadd.s32 s21, s1;
	[dreg:$0xb] =	wrdreg s20  }
0x1e: {  	s0 =	sshrl.u32 s0, $0x3;
	s26 =	sadd.s32 s25, s1;
	[dreg:$0xa] =	wrdreg s23  }
0x1f: {  	s29 =	sshrl.u32 s28, $0x3;
	s0 =	sadd.s32 s0, s1;
	[dreg:$0x9] =	wrdreg s26  }
0x20: {  	s21 =	sshrl.u32 s30, $0x3;
	s20 =	sadd.s32 s29, s1;
	[dreg:$0x5] =	wrdreg s0  }
0x21: {  	s13 =	sadd.s32 s1, s13;
	s31 =	sadd.s32 s21, s1;
	[dreg:$0x7] =	wrdreg s20  }
0x22: {  	v0 =	vimm.f32 $0.0e+00;
	s19 =	sadd.s32 s18, s19;
	s21 =	simm.s32 $0x5;
	[dreg:$0x6] =	wrdreg s31  }
.LBB2_1:
0x23: {  	s1 =	simm.s32 $0x0;
	s18 =	simm.s32 $0x200  }
.LBB2_2:
0x24: {  	p0 =	sne.s32 s18, $0x3E00;
	[tilespmem:s1+$0x19470] =	vst v0  }
0x25: {  	[tilespmem:s1+$0x19400] =	vst v0  }
0x26: {  	[tilespmem:s1+$0x19410] =	vst v0  }
.Ltmp0:
0x27: {  	[tilespmem:s1+$0x19420] =	vst v0;
	(pc) =	sbr.rel @p0 .LBB2_2-.Ltmp0, $4  }
0x28: {  	[tilespmem:s1+$0x19430] =	vst v0  }
0x29: {  	[tilespmem:s1+$0x19440] =	vst v0  }
0x2a: {  	[tilespmem:s1+$0x19450] =	vst v0  }
0x2b: {  	[tilespmem:s1+$0x19460] =	vst v0;
	s1 =	sshra.s32 s18, $0x2;
	s18 =	sadd.s32 $0x200, s18  }
0x2c: {  	[tilespmem:s1+$0x19470] =	vst v0  }
0x2d: {  	[tilespmem:s1+$0x19400] =	vst v0  }
0x2e: {  	[tilespmem:s1+$0x19410] =	vst v0  }
0x2f: {  	[tilespmem:s1+$0x19420] =	vst v0  }
0x30: {  	[tilespmem:s1+$0x19430] =	vst v0  }
0x31: {  	[tilespmem:s1+$0x19440] =	vst v0  }
0x32: {  	[tilespmem:s1+$0x19450] =	vst v0  }
0x33: {  	[tilespmem:s1+$0x19460] =	vst v0;
	s0 =	simm.s32 $0x19400  }
0x34: {  	[spmem:s4] =	stream.linear.scatter [tilespmem:s0], [sflag:$0x5], $0x1000, $0x38;
	[tilespmem:$0x1B400] =	vst v63  }
0x35: {  	_ =	swait.ge [sflag:s21], $0x1000  }
0x36: {  	[sflag:s21] =	ssyncset.done $0x0  }
0x37: {  	[sflag:s21] =	ssyncadd.s32 $0xFFFFF000  }
0x38: {  	s22 =	simm.s32 $0x0;
	s18 =	simm.s32 $0x19000;
	[bflag:$0x0] =	sbarrier.arrive $0xFFFF  }
0x39: {  	[tilespmem:s18], [sflag:$0x1] =	stream.linear.gather [hbm4b:s6+s22], $0x60, $0x38;
	[tilespmem:$0x1B400] =	vst v63  }
0x3a: {  	s23 =	simm.s32 $0x19080;
	s20 =	rddreg [dreg:$0xc]  }
0x3b: {  	[tilespmem:s23], [sflag:$0x1] =	stream.linear.gather [hbm4b:s20+s22], $0x68, $0x38;
	[tilespmem:$0x1B400] =	vst v63  }
0x3c: {  	s26 =	simm.s32 $0x19100;
	s25 =	rddreg [dreg:$0xd]  }
0x3d: {  	[tilespmem:s26], [sflag:$0x1] =	stream.linear.gather [hbm4b:s25+s22], $0x60, $0x38;
	[tilespmem:$0x1B400] =	vst v63  }
0x3e: {  	s7 =	simm.s32 $0x19180  }
0x3f: {  	[tilespmem:s7], [sflag:$0x1] =	stream.linear.gather [hbm4b:s9+s22], $0x68, $0x38;
	[tilespmem:$0x1B400] =	vst v63  }
0x40: {  	_ = 	snop  }
0x41: {  	[tilespmem:s22], [sflag:$0x1] =	stream.linear.gather [hbm4b:s10+s22], $0xC800, $0x38;
	[tilespmem:$0x1B400] =	vst v63  }
0x42: {  	s8 =	simm.s32 $0x19200  }
0x43: {  	[tilespmem:s8], [sflag:$0x2] =	stream.linear.gather [hbm4b:s11+s22], $0x60, $0x38;
	[tilespmem:$0x1B400] =	vst v63  }
0x44: {  	s18 =	simm.s32 $0x19280  }
0x45: {  	[tilespmem:s18], [sflag:$0x2] =	stream.linear.gather [hbm4b:s12+s22], $0x68, $0x38;
	[tilespmem:$0x1B400] =	vst v63  }
0x46: {  	s20 =	simm.s32 $0x19300  }
0x47: {  	[tilespmem:s20], [sflag:$0x2] =	stream.linear.gather [hbm4b:s13+s22], $0x60, $0x38;
	[tilespmem:$0x1B400] =	vst v63  }
0x48: {  	p0 =	sle.u32 s5, $0x0;
	s23 =	simm.s32 $0x19380  }
0x49: {  	[tilespmem:s23], [sflag:$0x2] =	stream.linear.gather [hbm4b:s16+s22], $0x68, $0x38;
	[tilespmem:$0x1B400] =	vst v63  }
0x4a: {  	s0 =	simm.s32 @!p0 $0x1;
	s25 =	simm.s32 $0xC800  }
0x4b: {  	[tilespmem:s25], [sflag:$0x2] =	stream.linear.gather [hbm4b:s15+s22], $0xC800, $0x38;
	[tilespmem:$0x1B400] =	vst v63  }
0x4c: {  	_ =	swait.ge @!p0 [sflag:s0], $0x60  }
0x4d: {  	[sflag:s0] =	ssyncset.done @!p0 $0x0  }
0x4e: {  	[sflag:s0] =	ssyncadd.s32 @!p0 $0xFFFFFFA0  }
0x4f: {  	_ =	swait.ge @!p0 [sflag:s0], $0x68  }
0x50: {  	[sflag:s0] =	ssyncset.done @!p0 $0x0  }
0x51: {  	[sflag:s0] =	ssyncadd.s32 @!p0 $0xFFFFFF98  }
0x52: {  	_ =	swait.ge @!p0 [sflag:s0], $0x60  }
0x53: {  	[sflag:s0] =	ssyncset.done @!p0 $0x0  }
0x54: {  	[sflag:s0] =	ssyncadd.s32 @!p0 $0xFFFFFFA0  }
0x55: {  	_ =	swait.ge @!p0 [sflag:s0], $0x68  }
0x56: {  	[sflag:s0] =	ssyncset.done @!p0 $0x0  }
0x57: {  	[sflag:s0] =	ssyncadd.s32 @!p0 $0xFFFFFF98  }
0x58: {  	_ =	swait.ge @!p0 [sflag:s0], $0xC800  }
0x59: {  	s1 =	simm.s32 @!p0 $0x0;
	[sflag:s0] =	ssyncset.done @!p0 $0x0  }
0x5a: {  	s18 =	simm.s32 @!p0 $0x60;
	s20 =	simm.s32 @!p0 $0x19000;
	[sflag:s0] =	ssyncadd.s32 @!p0 $0xFFFF3800  }
0x5b: {  	[spmem:s2] =	stream.indirect.scatter.add.f32 @!p0 [tilespmem:s1], [sflag:$0x3], $0x80, s20, s18, $0xb8;
	[tilespmem:$0x1B400] =	vst v63  }
0x5c: {  	s0 =	simm.s32 @!p0 $0x68;
	s1 =	simm.s32 @!p0 $0x19080;
	s20 =	simm.s32 @!p0 $0x3000  }
0x5d: {  	[spmem:s2] =	stream.indirect.scatter.add.f32 @!p0 [tilespmem:s20], [sflag:$0x3], $0x80, s1, s0, $0xb8;
	[tilespmem:$0x1B400] =	vst v63  }
0x5e: {  	s1 =	simm.s32 @!p0 $0x19100;
	s20 =	simm.s32 @!p0 $0x6400  }
0x5f: {  	[spmem:s2] =	stream.indirect.scatter.add.f32 @!p0 [tilespmem:s20], [sflag:$0x3], $0x80, s1, s18, $0xb8;
	[tilespmem:$0x1B400] =	vst v63  }
0x60: {  	s1 =	simm.s32 @!p0 $0x3;
	s18 =	simm.s32 @!p0 $0x19180;
	s20 =	simm.s32 @!p0 $0x9400  }
0x61: {  	[spmem:s2] =	stream.indirect.scatter.add.f32 @!p0 [tilespmem:s20], [sflag:$0x3], $0x80, s18, s0, $0xb8;
	[tilespmem:$0x1B400] =	vst v63  }
0x62: {  	_ =	swait.ge @!p0 [sflag:s1], $0x3000  }
0x63: {  	[sflag:s1] =	ssyncset.done @!p0 $0x0  }
0x64: {  	[sflag:s1] =	ssyncadd.s32 @!p0 $0xFFFFD000  }
0x65: {  	_ =	swait.ge @!p0 [sflag:s1], $0x3400  }
0x66: {  	[sflag:s1] =	ssyncset.done @!p0 $0x0  }
0x67: {  	[sflag:s1] =	ssyncadd.s32 @!p0 $0xFFFFCC00  }
0x68: {  	_ =	swait.ge @!p0 [sflag:s1], $0x3000  }
0x69: {  	p1 =	sle.u32 @!p0 s5, $0x2;
	[sflag:s1] =	ssyncset.done @!p0 $0x0  }
0x6a: {  	p2 =	por p1, p0;
	[sflag:s1] =	ssyncadd.s32 @!p0 $0xFFFFD000  }
0x6b: {  	s0 =	simm.s32 @!p2 $0x19000;
	_ =	swait.ge @!p0 [sflag:s1], $0x3400  }
0x6c: {  	s18 =	simm.s32 @!p2 $0x0;
	s20 =	sadd.s32 @!p2 $0x0, s19;
	[sflag:s1] =	ssyncset.done @!p0 $0x0  }
0x6d: {  	s20 =	sadd.s32 @!p2 $0x64, s20;
	s23 =	rddreg [dreg:$0x5];
	[sflag:s1] =	ssyncadd.s32 @!p0 $0xFFFFCC00  }
0x6e: {  	[tilespmem:s0], [sflag:$0x1] =	stream.linear.gather @!p2 [hbm4b:s20+s18], $0x60, $0x38;
	[tilespmem:$0x1B400] =	vst v63  }
0x6f: {  	s1 =	rddreg [dreg:$0x6];
	s0 =	sadd.s32 @!p2 $0x0, s23;
	s20 =	simm.s32 @!p2 $0x19080  }
0x70: {  	[tilespmem:s20], [sflag:$0x1] =	stream.linear.gather @!p2 [hbm4b:s0+s18], $0x68, $0x38;
	[tilespmem:$0x1B400] =	vst v63  }
0x71: {  	s23 =	rddreg [dreg:$0x7];
	s0 =	sadd.s32 @!p2 $0x0, s1;
	s1 =	simm.s32 @!p2 $0x19100  }
0x72: {  	[tilespmem:s1], [sflag:$0x1] =	stream.linear.gather @!p2 [hbm4b:s0+s18], $0x60, $0x38;
	[tilespmem:$0x1B400] =	vst v63  }
0x73: {  	s26 =	rddreg [dreg:$0x8];
	s0 =	simm.s32 @!p2 $0x19180;
	s1 =	sadd.s32 @!p2 $0x0, s23  }
0x74: {  	[tilespmem:s0], [sflag:$0x1] =	stream.linear.gather @!p2 [hbm4b:s1+s18], $0x68, $0x38;
	[tilespmem:$0x1B400] =	vst v63  }
0x75: {  	p1 =	sle.u32 s26, $0x0;
	s0 =	sadd.s32 @!p2 $0xFFFFE700, s24  }
0x76: {  	[tilespmem:s18], [sflag:$0x1] =	stream.linear.gather @!p2 [hbm4b:s0+s18], $0xC800, $0x38;
	[tilespmem:$0x1B400] =	vst v63  }
0x77: {  	s0 =	simm.s32 @!p1 $0x2  }
0x78: {  	_ =	swait.ge @!p1 [sflag:s0], $0x60  }
0x79: {  	[sflag:s0] =	ssyncset.done @!p1 $0x0  }
0x7a: {  	[sflag:s0] =	ssyncadd.s32 @!p1 $0xFFFFFFA0  }
0x7b: {  	_ =	swait.ge @!p1 [sflag:s0], $0x68  }
0x7c: {  	[sflag:s0] =	ssyncset.done @!p1 $0x0  }
0x7d: {  	[sflag:s0] =	ssyncadd.s32 @!p1 $0xFFFFFF98  }
0x7e: {  	_ =	swait.ge @!p1 [sflag:s0], $0x60  }
0x7f: {  	[sflag:s0] =	ssyncset.done @!p1 $0x0  }
0x80: {  	[sflag:s0] =	ssyncadd.s32 @!p1 $0xFFFFFFA0  }
0x81: {  	_ =	swait.ge @!p1 [sflag:s0], $0x68  }
0x82: {  	s25 =	simm.s32 $0xC8;
	s29 =	simm.s32 @!p1 $0x60;
	[sflag:s0] =	ssyncset.done @!p1 $0x0  }
0x83: {  	s28 =	simm.s32 @!p1 $0xF800;
	s26 =	simm.s32 @!p1 $0x68;
	[sflag:s0] =	ssyncadd.s32 @!p1 $0xFFFFFF98  }
0x84: {  	s31 =	simm.s32 @!p1 $0x19280;
	s30 =	simm.s32 @!p1 $0x19300;
	_ =	swait.ge @!p1 [sflag:s0], $0xC800  }
0x85: {  	s20 =	simm.s32 @!p1 $0x19200;
	s23 =	simm.s32 $0x3;
	[sflag:s0] =	ssyncset.done @!p1 $0x0  }
0x86: {  	s1 =	simm.s32 $0x64;
	s18 =	simm.s32 @!p1 $0xC800;
	[sflag:s0] =	ssyncadd.s32 @!p1 $0xFFFF3800  }
0x87: {  	[spmem:s2] =	stream.indirect.scatter.add.f32 @!p1 [tilespmem:s18], [sflag:$0x4], $0x80, s20, s29, $0xb8;
	[tilespmem:$0x1B400] =	vst v63  }
0x88: {  	s0 =	simm.s32 @!p1 $0x12C00;
	s20 =	sadd.s32 $0x3200, s24;
	s18 =	smov.u32 s24  }
.LBB2_4:
0x89: {  	[spmem:s2] =	stream.indirect.scatter.add.f32 @!p1 [tilespmem:s28], [sflag:$0x4], $0x80, s31, s26, $0xb8;
	[tilespmem:$0x1B400] =	vst v63  }
0x8a: {  	_ = 	snop  }
0x8b: {  	[spmem:s2] =	stream.indirect.scatter.add.f32 @!p1 [tilespmem:s0], [sflag:$0x4], $0x80, s30, s29, $0xb8;
	[tilespmem:$0x1B400] =	vst v63  }
0x8c: {  	s31 =	simm.s32 @!p1 $0x15C00;
	s7 =	simm.s32 @!p1 $0x4;
	s0 =	simm.s32 @!p1 $0x19380  }
0x8d: {  	[spmem:s2] =	stream.indirect.scatter.add.f32 @!p1 [tilespmem:s31], [sflag:$0x4], $0x80, s0, s26, $0xb8;
	[tilespmem:$0x1B400] =	vst v63  }
0x8e: {  	_ =	swait.ge @!p1 [sflag:s7], $0x3000  }
0x8f: {  	[sflag:s7] =	ssyncset.done @!p1 $0x0  }
0x90: {  	[sflag:s7] =	ssyncadd.s32 @!p1 $0xFFFFD000  }
0x91: {  	_ =	swait.ge @!p1 [sflag:s7], $0x3400  }
0x92: {  	[sflag:s7] =	ssyncset.done @!p1 $0x0  }
0x93: {  	[sflag:s7] =	ssyncadd.s32 @!p1 $0xFFFFCC00  }
0x94: {  	_ =	swait.ge @!p1 [sflag:s7], $0x3000  }
0x95: {  	p2 =	sge.u32 @!p1 s23, s5;
	[sflag:s7] =	ssyncset.done @!p1 $0x0  }
0x96: {  	s23 =	sadd.s32 $0x2, s23;
	p2 =	por p2, p1;
	[sflag:s7] =	ssyncadd.s32 @!p1 $0xFFFFD000  }
0x97: {  	s29 =	simm.s32 @!p2 $0x0;
	s0 =	sadd.s32 @!p2 s22, s19;
	_ =	swait.ge @!p1 [sflag:s7], $0x3400  }
0x98: {  	s26 =	simm.s32 @!p2 $0x19200;
	s31 =	simm.s32 @!p2 $0x19300;
	[sflag:s7] =	ssyncset.done @!p1 $0x0  }
0x99: {  	s0 =	sadd.s32 @!p2 $0x96, s0;
	[sflag:s7] =	ssyncadd.s32 @!p1 $0xFFFFCC00;
	s7 =	rddreg [dreg:$0x9]  }
0x9a: {  	[tilespmem:s26], [sflag:$0x2] =	stream.linear.gather @!p2 [hbm4b:s0+s29], $0x60, $0x38;
	[tilespmem:$0x1B400] =	vst v63  }
0x9b: {  	s30 =	rddreg [dreg:$0xa];
	s0 =	simm.s32 @!p2 $0x19280;
	s7 =	sadd.s32 @!p2 s22, s7  }
0x9c: {  	[tilespmem:s0], [sflag:$0x2] =	stream.linear.gather @!p2 [hbm4b:s7+s29], $0x68, $0x38;
	[tilespmem:$0x1B400] =	vst v63  }
0x9d: {  	s8 =	rddreg [dreg:$0xb];
	s26 =	sadd.s32 $0xFFFFFFFD, s23;
	s0 =	sadd.s32 @!p2 s22, s30  }
0x9e: {  	[tilespmem:s31], [sflag:$0x2] =	stream.linear.gather @!p2 [hbm4b:s0+s29], $0x60, $0x38;
	[tilespmem:$0x1B400] =	vst v63  }
0x9f: {  	p1 =	sge.u32 s26, s5;
	s7 =	simm.s32 @!p2 $0x19380;
	s0 =	sadd.s32 @!p2 s22, s8  }
0xa0: {  	[tilespmem:s7], [sflag:$0x2] =	stream.linear.gather @!p2 [hbm4b:s0+s29], $0x68, $0x38;
	[tilespmem:$0x1B400] =	vst v63  }
0xa1: {  	s8 =	simm.s32 @!p2 $0xC800;
	s0 =	simm.s32 @!p1 $0x1  }
0xa2: {  	[tilespmem:s8], [sflag:$0x2] =	stream.linear.gather @!p2 [hbm4b:s18+s29], $0xC800, $0x38;
	[tilespmem:$0x1B400] =	vst v63  }
0xa3: {  	_ =	swait.ge @!p1 [sflag:s0], $0x60  }
0xa4: {  	[sflag:s0] =	ssyncset.done @!p1 $0x0  }
0xa5: {  	[sflag:s0] =	ssyncadd.s32 @!p1 $0xFFFFFFA0  }
0xa6: {  	_ =	swait.ge @!p1 [sflag:s0], $0x68  }
0xa7: {  	[sflag:s0] =	ssyncset.done @!p1 $0x0  }
0xa8: {  	[sflag:s0] =	ssyncadd.s32 @!p1 $0xFFFFFF98  }
0xa9: {  	_ =	swait.ge @!p1 [sflag:s0], $0x60  }
0xaa: {  	[sflag:s0] =	ssyncset.done @!p1 $0x0  }
0xab: {  	[sflag:s0] =	ssyncadd.s32 @!p1 $0xFFFFFFA0  }
0xac: {  	_ =	swait.ge @!p1 [sflag:s0], $0x68  }
0xad: {  	[sflag:s0] =	ssyncset.done @!p1 $0x0  }
0xae: {  	s28 =	smov.u32 s25;
	s22 =	smov.u32 s1;
	[sflag:s0] =	ssyncadd.s32 @!p1 $0xFFFFFF98  }
0xaf: {  	s1 =	smov.u32 s28;
	s7 =	sadd.s32 @!p1 $0xFFFFFFFF, s23;
	_ =	swait.ge @!p1 [sflag:s0], $0xC800  }
0xb0: {  	s28 =	simm.s32 @!p1 $0x19000;
	p2 =	sge.u32 @!p1 s7, s5;
	[sflag:s0] =	ssyncset.done @!p1 $0x0  }
0xb1: {  	s7 =	simm.s32 @!p1 $0x0;
	s8 =	simm.s32 @!p1 $0x60;
	[sflag:s0] =	ssyncadd.s32 @!p1 $0xFFFF3800  }
0xb2: {  	[spmem:s2] =	stream.indirect.scatter.add.f32 @!p1 [tilespmem:s7], [sflag:$0x3], $0x80, s28, s8, $0xb8;
	[tilespmem:$0x1B400] =	vst v63  }
0xb3: {  	s0 =	simm.s32 @!p1 $0x68;
	s7 =	simm.s32 @!p1 $0x19080;
	s28 =	simm.s32 @!p1 $0x3000  }
0xb4: {  	[spmem:s2] =	stream.indirect.scatter.add.f32 @!p1 [tilespmem:s28], [sflag:$0x3], $0x80, s7, s0, $0xb8;
	[tilespmem:$0x1B400] =	vst v63  }
0xb5: {  	s7 =	simm.s32 @!p1 $0x19100;
	s28 =	simm.s32 @!p1 $0x6400  }
0xb6: {  	[spmem:s2] =	stream.indirect.scatter.add.f32 @!p1 [tilespmem:s28], [sflag:$0x3], $0x80, s7, s8, $0xb8;
	[tilespmem:$0x1B400] =	vst v63  }
0xb7: {  	s29 =	simm.s32 @!p1 $0x3;
	s7 =	simm.s32 @!p1 $0x19180;
	s8 =	simm.s32 @!p1 $0x9400  }
0xb8: {  	[spmem:s2] =	stream.indirect.scatter.add.f32 @!p1 [tilespmem:s8], [sflag:$0x3], $0x80, s7, s0, $0xb8;
	[tilespmem:$0x1B400] =	vst v63  }
0xb9: {  	_ =	swait.ge @!p1 [sflag:s29], $0x3000  }
0xba: {  	[sflag:s29] =	ssyncset.done @!p1 $0x0  }
0xbb: {  	[sflag:s29] =	ssyncadd.s32 @!p1 $0xFFFFD000  }
0xbc: {  	_ =	swait.ge @!p1 [sflag:s29], $0x3400  }
0xbd: {  	[sflag:s29] =	ssyncset.done @!p1 $0x0  }
0xbe: {  	[sflag:s29] =	ssyncadd.s32 @!p1 $0xFFFFCC00  }
0xbf: {  	_ =	swait.ge @!p1 [sflag:s29], $0x3000  }
0xc0: {  	p2 =	por p2, p1;
	[sflag:s29] =	ssyncset.done @!p1 $0x0  }
0xc1: {  	s30 =	sadd.s32 @!p2 s22, s19;
	[sflag:s29] =	ssyncadd.s32 @!p1 $0xFFFFD000  }
0xc2: {  	s30 =	sadd.s32 @!p2 $0x64, s30;
	_ =	swait.ge @!p1 [sflag:s29], $0x3400  }
0xc3: {  	s28 =	simm.s32 @!p2 $0x0;
	[sflag:s29] =	ssyncset.done @!p1 $0x0;
	s31 =	rddreg [dreg:$0x5]  }
0xc4: {  	s8 =	simm.s32 @!p2 $0x19000;
	[sflag:s29] =	ssyncadd.s32 @!p1 $0xFFFFCC00;
	s29 =	rddreg [dreg:$0x6]  }
0xc5: {  	[tilespmem:s8], [sflag:$0x1] =	stream.linear.gather @!p2 [hbm4b:s30+s28], $0x60, $0x38;
	[tilespmem:$0x1B400] =	vst v63  }
0xc6: {  	s8 =	sadd.s32 @!p2 s22, s31;
	s30 =	simm.s32 @!p2 $0x19080;
	s31 =	rddreg [dreg:$0x7]  }
0xc7: {  	[tilespmem:s30], [sflag:$0x1] =	stream.linear.gather @!p2 [hbm4b:s8+s28], $0x68, $0x38;
	[tilespmem:$0x1B400] =	vst v63  }
0xc8: {  	s8 =	sadd.s32 @!p2 s22, s29;
	s29 =	simm.s32 @!p2 $0x19100;
	s30 =	rddreg [dreg:$0x8]  }
0xc9: {  	[tilespmem:s29], [sflag:$0x1] =	stream.linear.gather @!p2 [hbm4b:s8+s28], $0x60, $0x38;
	[tilespmem:$0x1B400] =	vst v63  }
0xca: {  	s0 =	simm.s32 @!p2 $0x19180;
	p1 =	sge.u32 s26, s30;
	s8 =	sadd.s32 @!p2 s22, s31  }
0xcb: {  	[tilespmem:s0], [sflag:$0x1] =	stream.linear.gather @!p2 [hbm4b:s8+s28], $0x68, $0x38;
	[tilespmem:$0x1B400] =	vst v63  }
0xcc: {  	s7 =	sadd.s32 @!p2 $0xFFFFE700, s20;
	s0 =	simm.s32 @!p1 $0x2  }
0xcd: {  	[tilespmem:s28], [sflag:$0x1] =	stream.linear.gather @!p2 [hbm4b:s7+s28], $0xC800, $0x38;
	[tilespmem:$0x1B400] =	vst v63  }
0xce: {  	_ =	swait.ge @!p1 [sflag:s0], $0x60  }
0xcf: {  	[sflag:s0] =	ssyncset.done @!p1 $0x0  }
0xd0: {  	[sflag:s0] =	ssyncadd.s32 @!p1 $0xFFFFFFA0  }
0xd1: {  	_ =	swait.ge @!p1 [sflag:s0], $0x68  }
0xd2: {  	[sflag:s0] =	ssyncset.done @!p1 $0x0  }
0xd3: {  	[sflag:s0] =	ssyncadd.s32 @!p1 $0xFFFFFF98  }
0xd4: {  	_ =	swait.ge @!p1 [sflag:s0], $0x60  }
0xd5: {  	[sflag:s0] =	ssyncset.done @!p1 $0x0  }
0xd6: {  	s25 =	sadd.s32 $0x64, s25;
	[sflag:s0] =	ssyncadd.s32 @!p1 $0xFFFFFFA0  }
0xd7: {  	p0 =	sne.s32 s25, $0x190;
	s18 =	smov.u32 s20;
	_ =	swait.ge @!p1 [sflag:s0], $0x68  }
0xd8: {  	s20 =	sadd.s32 $0x3200, s20;
	s29 =	simm.s32 @!p1 $0x60;
	[sflag:s0] =	ssyncset.done @!p1 $0x0  }
.Ltmp1:
0xd9: {  	s26 =	simm.s32 @!p1 $0x68;
	[sflag:s0] =	ssyncadd.s32 @!p1 $0xFFFFFF98;
	(pc) =	sbr.rel @p0 .LBB2_4-.Ltmp1, $4  }
0xda: {  	s31 =	simm.s32 @!p1 $0x19280;
	s30 =	simm.s32 @!p1 $0x19300;
	_ =	swait.ge @!p1 [sflag:s0], $0xC800  }
0xdb: {  	s8 =	simm.s32 @!p1 $0x19200;
	s7 =	simm.s32 @!p1 $0xC800;
	[sflag:s0] =	ssyncset.done @!p1 $0x0  }
0xdc: {  	s28 =	simm.s32 @!p1 $0xF800;
	[sflag:s0] =	ssyncadd.s32 @!p1 $0xFFFF3800;
	s0 =	simm.s32 @!p1 $0x12C00  }
0xdd: {  	[spmem:s2] =	stream.indirect.scatter.add.f32 @!p1 [tilespmem:s7], [sflag:$0x4], $0x80, s8, s29, $0xb8;
	[tilespmem:$0x1B400] =	vst v63  }
0xde: {  	[spmem:s2] =	stream.indirect.scatter.add.f32 @!p1 [tilespmem:s28], [sflag:$0x4], $0x80, s31, s26, $0xb8;
	[tilespmem:$0x1B400] =	vst v63  }
0xdf: {  	_ = 	snop  }
0xe0: {  	[spmem:s2] =	stream.indirect.scatter.add.f32 @!p1 [tilespmem:s0], [sflag:$0x4], $0x80, s30, s29, $0xb8;
	[tilespmem:$0x1B400] =	vst v63  }
0xe1: {  	s7 =	simm.s32 @!p1 $0x4;
	s8 =	simm.s32 @!p1 $0x19380;
	s0 =	simm.s32 @!p1 $0x15C00  }
0xe2: {  	[spmem:s2] =	stream.indirect.scatter.add.f32 @!p1 [tilespmem:s0], [sflag:$0x4], $0x80, s8, s26, $0xb8;
	[tilespmem:$0x1B400] =	vst v63  }
0xe3: {  	_ =	swait.ge @!p1 [sflag:s7], $0x3000  }
0xe4: {  	[sflag:s7] =	ssyncset.done @!p1 $0x0  }
0xe5: {  	[sflag:s7] =	ssyncadd.s32 @!p1 $0xFFFFD000  }
0xe6: {  	_ =	swait.ge @!p1 [sflag:s7], $0x3400  }
0xe7: {  	[sflag:s7] =	ssyncset.done @!p1 $0x0  }
0xe8: {  	[sflag:s7] =	ssyncadd.s32 @!p1 $0xFFFFCC00  }
0xe9: {  	_ =	swait.ge @!p1 [sflag:s7], $0x3000  }
0xea: {  	p0 =	sge.u32 @!p1 s23, s5;
	[sflag:s7] =	ssyncset.done @!p1 $0x0  }
0xeb: {  	s23 =	sadd.s32 $0x2, s23;
	p2 =	por p0, p1;
	[sflag:s7] =	ssyncadd.s32 @!p1 $0xFFFFD000  }
0xec: {  	s28 =	sadd.s32 $0xFFFFFFFD, s23;
	s25 =	simm.s32 @!p2 $0x19200;
	_ =	swait.ge @!p1 [sflag:s7], $0x3400  }
0xed: {  	s0 =	sadd.s32 @!p2 s22, s19;
	s8 =	simm.s32 @!p2 $0x0;
	[sflag:s7] =	ssyncset.done @!p1 $0x0  }
0xee: {  	s0 =	sadd.s32 @!p2 $0x96, s0;
	[sflag:s7] =	ssyncadd.s32 @!p1 $0xFFFFCC00;
	s7 =	rddreg [dreg:$0x9]  }
0xef: {  	[tilespmem:s25], [sflag:$0x2] =	stream.linear.gather @!p2 [hbm4b:s0+s8], $0x60, $0x38;
	[tilespmem:$0x1B400] =	vst v63  }
0xf0: {  	s0 =	rddreg [dreg:$0xa];
	s25 =	simm.s32 @!p2 $0x19280;
	s7 =	sadd.s32 @!p2 s22, s7  }
0xf1: {  	[tilespmem:s25], [sflag:$0x2] =	stream.linear.gather @!p2 [hbm4b:s7+s8], $0x68, $0x38;
	[tilespmem:$0x1B400] =	vst v63  }
0xf2: {  	s26 =	rddreg [dreg:$0xb];
	s0 =	sadd.s32 @!p2 s22, s0;
	s7 =	simm.s32 @!p2 $0x19300  }
0xf3: {  	[tilespmem:s7], [sflag:$0x2] =	stream.linear.gather @!p2 [hbm4b:s0+s8], $0x60, $0x38;
	[tilespmem:$0x1B400] =	vst v63  }
0xf4: {  	p0 =	sge.u32 s28, s5;
	s0 =	simm.s32 @!p2 $0x19380;
	s7 =	sadd.s32 @!p2 s22, s26  }
0xf5: {  	[tilespmem:s0], [sflag:$0x2] =	stream.linear.gather @!p2 [hbm4b:s7+s8], $0x68, $0x38;
	[tilespmem:$0x1B400] =	vst v63  }
0xf6: {  	s0 =	simm.s32 @!p2 $0xC800;
	s7 =	simm.s32 @!p0 $0x1  }
0xf7: {  	[tilespmem:s0], [sflag:$0x2] =	stream.linear.gather @!p2 [hbm4b:s18+s8], $0xC800, $0x38;
	[tilespmem:$0x1B400] =	vst v63  }
0xf8: {  	_ =	swait.ge @!p0 [sflag:s7], $0x60  }
0xf9: {  	[sflag:s7] =	ssyncset.done @!p0 $0x0  }
0xfa: {  	[sflag:s7] =	ssyncadd.s32 @!p0 $0xFFFFFFA0  }
0xfb: {  	_ =	swait.ge @!p0 [sflag:s7], $0x68  }
0xfc: {  	[sflag:s7] =	ssyncset.done @!p0 $0x0  }
0xfd: {  	[sflag:s7] =	ssyncadd.s32 @!p0 $0xFFFFFF98  }
0xfe: {  	_ =	swait.ge @!p0 [sflag:s7], $0x60  }
0xff: {  	[sflag:s7] =	ssyncset.done @!p0 $0x0  }
0x100: {  	[sflag:s7] =	ssyncadd.s32 @!p0 $0xFFFFFFA0  }
0x101: {  	_ =	swait.ge @!p0 [sflag:s7], $0x68  }
0x102: {  	[sflag:s7] =	ssyncset.done @!p0 $0x0  }
0x103: {  	[sflag:s7] =	ssyncadd.s32 @!p0 $0xFFFFFF98  }
0x104: {  	_ =	swait.ge @!p0 [sflag:s7], $0xC800  }
0x105: {  	s0 =	simm.s32 @!p0 $0x0;
	[sflag:s7] =	ssyncset.done @!p0 $0x0  }
0x106: {  	s8 =	simm.s32 @!p0 $0x60;
	s18 =	simm.s32 @!p0 $0x19000;
	[sflag:s7] =	ssyncadd.s32 @!p0 $0xFFFF3800  }
0x107: {  	[spmem:s2] =	stream.indirect.scatter.add.f32 @!p0 [tilespmem:s0], [sflag:$0x3], $0x80, s18, s8, $0xb8;
	[tilespmem:$0x1B400] =	vst v63  }
0x108: {  	s7 =	simm.s32 @!p0 $0x19080;
	s0 =	simm.s32 @!p0 $0x68;
	s18 =	simm.s32 @!p0 $0x3000  }
0x109: {  	[spmem:s2] =	stream.indirect.scatter.add.f32 @!p0 [tilespmem:s18], [sflag:$0x3], $0x80, s7, s0, $0xb8;
	[tilespmem:$0x1B400] =	vst v63  }
0x10a: {  	s7 =	simm.s32 @!p0 $0x19100;
	s18 =	simm.s32 @!p0 $0x6400  }
0x10b: {  	[spmem:s2] =	stream.indirect.scatter.add.f32 @!p0 [tilespmem:s18], [sflag:$0x3], $0x80, s7, s8, $0xb8;
	[tilespmem:$0x1B400] =	vst v63  }
0x10c: {  	s7 =	simm.s32 @!p0 $0x3;
	s8 =	simm.s32 @!p0 $0x19180;
	s18 =	simm.s32 @!p0 $0x9400  }
0x10d: {  	[spmem:s2] =	stream.indirect.scatter.add.f32 @!p0 [tilespmem:s18], [sflag:$0x3], $0x80, s8, s0, $0xb8;
	[tilespmem:$0x1B400] =	vst v63  }
0x10e: {  	_ =	swait.ge @!p0 [sflag:s7], $0x3000  }
0x10f: {  	[sflag:s7] =	ssyncset.done @!p0 $0x0  }
0x110: {  	[sflag:s7] =	ssyncadd.s32 @!p0 $0xFFFFD000  }
0x111: {  	_ =	swait.ge @!p0 [sflag:s7], $0x3400  }
0x112: {  	[sflag:s7] =	ssyncset.done @!p0 $0x0  }
0x113: {  	[sflag:s7] =	ssyncadd.s32 @!p0 $0xFFFFCC00  }
0x114: {  	s0 =	sadd.s32 @!p0 $0xFFFFFFFF, s23;
	_ =	swait.ge @!p0 [sflag:s7], $0x3000  }
0x115: {  	p1 =	sge.u32 @!p0 s0, s5;
	[sflag:s7] =	ssyncset.done @!p0 $0x0  }
0x116: {  	p1 =	por p1, p0;
	[sflag:s7] =	ssyncadd.s32 @!p0 $0xFFFFD000  }
0x117: {  	s0 =	simm.s32 @!p1 $0x19000;
	_ =	swait.ge @!p0 [sflag:s7], $0x3400  }
0x118: {  	s8 =	simm.s32 @!p1 $0x0;
	s18 =	sadd.s32 @!p1 s1, s19;
	[sflag:s7] =	ssyncset.done @!p0 $0x0  }
0x119: {  	s18 =	sadd.s32 @!p1 $0x64, s18;
	s22 =	rddreg [dreg:$0x5];
	[sflag:s7] =	ssyncadd.s32 @!p0 $0xFFFFCC00  }
0x11a: {  	[tilespmem:s0], [sflag:$0x1] =	stream.linear.gather @!p1 [hbm4b:s18+s8], $0x60, $0x38;
	[tilespmem:$0x1B400] =	vst v63  }
0x11b: {  	s7 =	rddreg [dreg:$0x6];
	s0 =	sadd.s32 @!p1 s1, s22;
	s18 =	simm.s32 @!p1 $0x19080  }
0x11c: {  	[tilespmem:s18], [sflag:$0x1] =	stream.linear.gather @!p1 [hbm4b:s0+s8], $0x68, $0x38;
	[tilespmem:$0x1B400] =	vst v63  }
0x11d: {  	s22 =	rddreg [dreg:$0x7];
	s0 =	sadd.s32 @!p1 s1, s7;
	s7 =	simm.s32 @!p1 $0x19100  }
0x11e: {  	[tilespmem:s7], [sflag:$0x1] =	stream.linear.gather @!p1 [hbm4b:s0+s8], $0x60, $0x38;
	[tilespmem:$0x1B400] =	vst v63  }
0x11f: {  	s29 =	rddreg [dreg:$0x8];
	s0 =	simm.s32 @!p1 $0x19180;
	s7 =	sadd.s32 @!p1 s1, s22  }
0x120: {  	[tilespmem:s0], [sflag:$0x1] =	stream.linear.gather @!p1 [hbm4b:s7+s8], $0x68, $0x38;
	[tilespmem:$0x1B400] =	vst v63  }
0x121: {  	p0 =	sge.u32 s28, s29;
	s0 =	sadd.s32 @!p1 $0xFFFFE700, s20  }
0x122: {  	[tilespmem:s8], [sflag:$0x1] =	stream.linear.gather @!p1 [hbm4b:s0+s8], $0xC800, $0x38;
	[tilespmem:$0x1B400] =	vst v63  }
0x123: {  	s0 =	simm.s32 @!p0 $0x2  }
0x124: {  	_ =	swait.ge @!p0 [sflag:s0], $0x60  }
0x125: {  	[sflag:s0] =	ssyncset.done @!p0 $0x0  }
0x126: {  	[sflag:s0] =	ssyncadd.s32 @!p0 $0xFFFFFFA0  }
0x127: {  	_ =	swait.ge @!p0 [sflag:s0], $0x68  }
0x128: {  	[sflag:s0] =	ssyncset.done @!p0 $0x0  }
0x129: {  	[sflag:s0] =	ssyncadd.s32 @!p0 $0xFFFFFF98  }
0x12a: {  	_ =	swait.ge @!p0 [sflag:s0], $0x60  }
0x12b: {  	[sflag:s0] =	ssyncset.done @!p0 $0x0  }
0x12c: {  	[sflag:s0] =	ssyncadd.s32 @!p0 $0xFFFFFFA0  }
0x12d: {  	_ =	swait.ge @!p0 [sflag:s0], $0x68  }
0x12e: {  	[sflag:s0] =	ssyncset.done @!p0 $0x0  }
0x12f: {  	[sflag:s0] =	ssyncadd.s32 @!p0 $0xFFFFFF98  }
0x130: {  	_ =	swait.ge @!p0 [sflag:s0], $0xC800  }
0x131: {  	s18 =	simm.s32 @!p0 $0x19200;
	[sflag:s0] =	ssyncset.done @!p0 $0x0  }
0x132: {  	s7 =	simm.s32 @!p0 $0xC800;
	s8 =	simm.s32 @!p0 $0x60;
	[sflag:s0] =	ssyncadd.s32 @!p0 $0xFFFF3800  }
0x133: {  	[spmem:s2] =	stream.indirect.scatter.add.f32 @!p0 [tilespmem:s7], [sflag:$0x4], $0x80, s18, s8, $0xb8;
	[tilespmem:$0x1B400] =	vst v63  }
0x134: {  	s0 =	simm.s32 @!p0 $0xF800;
	s7 =	simm.s32 @!p0 $0x68;
	s18 =	simm.s32 @!p0 $0x19280  }
0x135: {  	[spmem:s2] =	stream.indirect.scatter.add.f32 @!p0 [tilespmem:s0], [sflag:$0x4], $0x80, s18, s7, $0xb8;
	[tilespmem:$0x1B400] =	vst v63  }
0x136: {  	s0 =	simm.s32 @!p0 $0x19300;
	s18 =	simm.s32 @!p0 $0x12C00  }
0x137: {  	[spmem:s2] =	stream.indirect.scatter.add.f32 @!p0 [tilespmem:s18], [sflag:$0x4], $0x80, s0, s8, $0xb8;
	[tilespmem:$0x1B400] =	vst v63  }
0x138: {  	s0 =	simm.s32 @!p0 $0x15C00;
	s8 =	simm.s32 @!p0 $0x4;
	s18 =	simm.s32 @!p0 $0x19380  }
0x139: {  	[spmem:s2] =	stream.indirect.scatter.add.f32 @!p0 [tilespmem:s0], [sflag:$0x4], $0x80, s18, s7, $0xb8;
	[tilespmem:$0x1B400] =	vst v63  }
0x13a: {  	_ =	swait.ge @!p0 [sflag:s8], $0x3000  }
0x13b: {  	[sflag:s8] =	ssyncset.done @!p0 $0x0  }
0x13c: {  	[sflag:s8] =	ssyncadd.s32 @!p0 $0xFFFFD000  }
0x13d: {  	_ =	swait.ge @!p0 [sflag:s8], $0x3400  }
0x13e: {  	[sflag:s8] =	ssyncset.done @!p0 $0x0  }
0x13f: {  	[sflag:s8] =	ssyncadd.s32 @!p0 $0xFFFFCC00  }
0x140: {  	_ =	swait.ge @!p0 [sflag:s8], $0x3000  }
0x141: {  	p1 =	sge.u32 @!p0 s23, s5;
	[sflag:s8] =	ssyncset.done @!p0 $0x0  }
0x142: {  	p1 =	por p1, p0;
	[sflag:s8] =	ssyncadd.s32 @!p0 $0xFFFFD000  }
0x143: {  	s0 =	sadd.s32 @!p1 s1, s19;
	_ =	swait.ge @!p0 [sflag:s8], $0x3400  }
0x144: {  	s7 =	simm.s32 @!p1 $0x0;
	s18 =	simm.s32 @!p1 $0x19200;
	[sflag:s8] =	ssyncset.done @!p0 $0x0  }
0x145: {  	s0 =	sadd.s32 @!p1 $0x96, s0;
	[sflag:s8] =	ssyncadd.s32 @!p0 $0xFFFFCC00;
	s8 =	rddreg [dreg:$0x9]  }
0x146: {  	[tilespmem:s18], [sflag:$0x2] =	stream.linear.gather @!p1 [hbm4b:s0+s7], $0x60, $0x38;
	[tilespmem:$0x1B400] =	vst v63  }
0x147: {  	s0 =	rddreg [dreg:$0xa];
	s18 =	simm.s32 @!p1 $0x19280;
	s8 =	sadd.s32 @!p1 s1, s8  }
0x148: {  	[tilespmem:s18], [sflag:$0x2] =	stream.linear.gather @!p1 [hbm4b:s8+s7], $0x68, $0x38;
	[tilespmem:$0x1B400] =	vst v63  }
0x149: {  	s22 =	rddreg [dreg:$0xb];
	s0 =	sadd.s32 @!p1 s1, s0;
	s8 =	simm.s32 @!p1 $0x19300  }
0x14a: {  	[tilespmem:s8], [sflag:$0x2] =	stream.linear.gather @!p1 [hbm4b:s0+s7], $0x60, $0x38;
	[tilespmem:$0x1B400] =	vst v63  }
0x14b: {  	s1 =	sadd.s32 @!p1 s1, s22;
	s0 =	simm.s32 @!p1 $0x19380  }
0x14c: {  	[tilespmem:s0], [sflag:$0x2] =	stream.linear.gather @!p1 [hbm4b:s1+s7], $0x68, $0x38;
	[tilespmem:$0x1B400] =	vst v63  }
0x14d: {  	s3 =	sadd.s32 $0x1, s3;
	s30 =	stileid.u32;
	s0 =	simm.s32 @!p1 $0xC800  }
0x14e: {  	[tilespmem:s0], [sflag:$0x2] =	stream.linear.gather @!p1 [hbm4b:s20+s7], $0xC800, $0x38;
	[tilespmem:$0x1B400] =	vst v63  }
0x14f: {  	s31 =	sshrl.u32 s4, $0x3;
	p0 =	sne.s32 s3, s17;
	s0 =	sshll.u32 s30, $0x6  }
.Ltmp2:
0x150: {  	[bflag:$0x0] =	sbarrier.arrive $0xFFFF;
	s0 =	sor.u32 $0x1C05, s0;
	(pc) =	sbr.rel @p0 .LBB2_1-.Ltmp2, $4  }
0x151: {  	[hbm:s14], [sflag:s0] =	dma.local [spmem:s31], $0x200  }
0x152: {  	_ =	swait.ge [sflag:s21], $0x200  }
0x153: {  	[sflag:s21] =	ssyncset.done $0x0  }
0x154: {  	[sflag:s21] =	ssyncadd.s32 $0xFFFFFE00  }
0x155: {  	_ =	sfence.sel $0x180000  }
0x156: {  	[bflag:$0x0] =	sbarrier.arrive $0xFFFF  }
0x157: {  	_ =	strace $0x90000047  }
0x158: {  	s0 =	stileid.u32;
	[bflag:$0x2] =	sbarrier.arrive $0xFFFF  }
0x159: {  	p0 =	sne.s32 s0, $0x0;
	s0 =	rddreg [dreg:$0x4]  }
0x15a: {  	s0 =	sadd.s32 @!p0 $0x100000, s0  }
0x15b: {  	[sflag:s0] =	ssyncadd.tile.s32 @!p0 $0x1;
	_ =	shalt  }
.Lfunc_end2:
_tile_overlayer_lowered:
.L_overlay_start_2:
0x15c: {  	(tag) =	ssettag $0x2  }
0x15d: {  	s0 =	rddreg [dreg:$0x0];
	s2 =	stileid.u32  }
0x15e: {  	s1 =	rddreg [dreg:$0x1];
	p0 =	sne.s32 s2, $0x0  }
0x15f: {  	s3 =	rddreg [dreg:$0x2];
	[bflag:$0x3] =	sbarrier.arrive $0xFFFF;
	s2 =	simm.s32 @!p0 $0x1C05  }
0x160: {  	[timem:s3], [sflag:s2] =	dma.local @!p0 [hbm:s0], s1  }
0x161: {  	s0 =	simm.s32 @!p0 $0x5  }
0x162: {  	_ =	swait.ge @!p0 [sflag:s0], s1  }
0x163: {  	s1 =	ssub.s32 @!p0 $0x0, s1;
	[sflag:s0] =	ssyncset.done @!p0 $0x0  }
0x164: {  	[sflag:s0] =	ssyncadd.s32 @!p0 s1  }
0x165: {  	[bflag:$0x3] =	sbarrier.arrive $0xFFFF  }
0x166: {  	_ =	shalt  }

</sc_bundles>
